<compile_context>
chip_gen: v7x
topology: tpu7x:2x2x1
jax: 0.10.2.dev20260603
libtpu: 0.0.44.dev20260713+nightly
codegen_flags: <defaults>
</compile_context>

<pallas_src>
import functools

import jax
import jax.numpy as jnp
from jax import lax
from jax.experimental import pallas as pl
from jax.experimental.pallas import tpu as pltpu
from jax.experimental.pallas import tpu_sc as plsc

N = 10000
E = 320000
D = 128
L = 2

NC = 2
NS = 16
LANES = 16
NW = NC * NS

CH = 128
NCHUNK = -(-E // (NW * CH))
EPT = NCHUNK * CH
E_PAD = EPT * NW
N_PAD = 10240
RPT = N_PAD // NS

_mesh = plsc.VectorSubcoreMesh(core_axis_name="c", subcore_axis_name="s")


@functools.partial(
    pl.kernel,
    out_type=jax.ShapeDtypeStruct((NC, N_PAD, D), jnp.float32),
    mesh=_mesh,
    scratch_types=[
        pltpu.VMEM((NCHUNK, CH), jnp.int32),
        pltpu.VMEM((NCHUNK, CH), jnp.int32),
        pltpu.VMEM((EPT + LANES,), jnp.float32),
        pltpu.VMEM((CH, D), jnp.float32),
        pltpu.VMEM_SHARED((N_PAD, D), jnp.float32),
        pltpu.SemaphoreType.DMA,
    ],
)
def _spmm_sc(h_hbm, cols_hbm, rows_hbm, lap_hbm, zeros_hbm, out_hbm,
             colv, rowv, lapv, gbuf, acc, sem):
    c = lax.axis_index("c")
    s = lax.axis_index("s")
    wid = c * NS + s

    pltpu.sync_copy(zeros_hbm, acc.at[pl.ds(s * RPT, RPT)])

    pltpu.sync_copy(cols_hbm.at[wid], colv)
    pltpu.sync_copy(rows_hbm.at[wid], rowv)
    pltpu.sync_copy(lap_hbm.at[pl.ds(wid * EPT, EPT)], lapv.at[pl.ds(0, EPT)])

    plsc.subcore_barrier()

    def chunk_body(j, carry):
        pltpu.async_copy(h_hbm.at[colv.at[j]], gbuf, sem).wait()

        def edge_body(k, carry2):
            lv = lapv[pl.ds(j * CH + k, LANES)][0]
            for g in range(D // LANES):
                sl = pl.ds(g * LANES, LANES)
                gbuf[k, sl] = gbuf[k, sl] * lv
            return carry2

        lax.fori_loop(0, CH, edge_body, 0, unroll=2)

        pltpu.sync_copy(gbuf, acc.at[rowv.at[j]], add=True)
        return carry

    lax.fori_loop(0, NCHUNK, chunk_body, 0)

    plsc.subcore_barrier()

    pltpu.sync_copy(acc.at[pl.ds(s * RPT, RPT)],
                    out_hbm.at[c, pl.ds(s * RPT, RPT)])


def _dense_body(h_ref, p_ref, wt_ref, b_ref, o_ref):
    x = h_ref[...] - (p_ref[0] + p_ref[1])
    y = jnp.dot(x, wt_ref[...], preferred_element_type=jnp.float32)
    o_ref[...] = jnp.maximum(y + b_ref[...], 0.0)


_BN = 1000


def _dense(h, P, wt, b2):
    grid = (N // _BN,)
    return pl.pallas_call(
        _dense_body,
        grid=grid,
        in_specs=[
            pl.BlockSpec((_BN, D), lambda i: (i, 0)),
            pl.BlockSpec((NC, _BN, D), lambda i: (0, i, 0)),
            pl.BlockSpec((D, D), lambda i: (0, 0)),
            pl.BlockSpec((1, D), lambda i: (0, 0)),
        ],
        out_specs=pl.BlockSpec((_BN, D), lambda i: (i, 0)),
        out_shape=jax.ShapeDtypeStruct((N, D), jnp.float32),
    )(h, P, wt, b2)


def kernel(edge_index, lap_values, X, W, b, temp_global):
    rows = edge_index[0]
    cols = edge_index[1]
    pad = E_PAD - E
    cols_p = jnp.pad(cols, (0, pad)).reshape(NW, NCHUNK, CH)
    rows_p = jnp.pad(rows, (0, pad)).reshape(NW, NCHUNK, CH)
    lap_p = jnp.pad(lap_values, (0, pad))
    zeros = jnp.zeros((RPT, D), jnp.float32)

    h = X
    for i in range(L):
        lap_i = lap_p * temp_global[i]
        P = _spmm_sc(h, cols_p, rows_p, lap_i, zeros)
        h = _dense(h, P, W[i].T, b[i].reshape(1, D))
    return h

# --- scband reference (transcript-rebuilt; emitter-appended) ---
"""Pipeline reference for scband-rho-global-31645319037049 (READ-ONLY COPY).

The authoritative reference and input builder live on the scoring server;
editing this copy changes nothing except your own understanding.
"""

import jax, jax.numpy as jnp
import numpy as np

N = 10000
E = 320000
D = 128
L = 2

def setup_inputs(seed: int = 0) -> dict:
    key = jax.random.key(seed)
    ks = jax.random.split(key, 6)
    edge_index = jax.random.randint(ks[0], (2, E), 0, N, dtype=jnp.int32)
    lap_values = jax.random.normal(ks[1], (E,), dtype=jnp.float32)
    X = jax.random.normal(ks[2], (N, D), dtype=jnp.float32)
    # learned parameters: L linear layers (weight [D,D], bias [D]) + temp_global [L]
    W = jax.random.normal(ks[3], (L, D, D), dtype=jnp.float32) * (1.0 / np.sqrt(D))
    b = jnp.zeros((L, D), dtype=jnp.float32)
    temp_global = jnp.ones((L,), dtype=jnp.float32)
    return {"edge_index": edge_index, "lap_values": lap_values, "X": X, "W": W, "b": b, "temp_global": temp_global}

def reference(edge_index, lap_values, X, W, b, temp_global):
    # Faithful translation of RHO_global.forward:
    #   for i in range(layer):
    #       LX = spmm(Lap, X); X = X - temp[i]*LX; X = relu(Linear_i(X))
    rows = edge_index[0]  # dst (row index of Lap)
    cols = edge_index[1]  # src (col index of Lap)
    h = X
    for i in range(L):
        msg = lap_values[:, None] * jnp.take(h, cols, axis=0)   # gather
        LX = jax.ops.segment_sum(msg, rows, num_segments=N)      # scatter-add (spmm)
        h = h - temp_global[i] * LX
        h = jax.nn.relu(h @ W[i].T + b[i])
    return h

if __name__ == "__main__":
    import jax
    _d = setup_inputs()
    print(jax.jit(kernel)(*tuple(_d.values())))

</pallas_src>

<mosaic_0001>
#map = affine_map<(d0, d1) -> (0, 0)>
#map1 = affine_map<(d0, d1) -> (0, 0, 0)>
#map2 = affine_map<(d0, d1) -> (0)>
module attributes {stable_mosaic.version = 14 : i64} {
  func.func @_spmm_sc(%arg0: i32, %arg1: i32, %arg2: memref<10000x128xf32, #tpu.memory_space<hbm>>, %arg3: memref<32x79x128xi32, #tpu.memory_space<hbm>>, %arg4: memref<32x79x128xi32, #tpu.memory_space<hbm>>, %arg5: memref<323584xf32, #tpu.memory_space<hbm>>, %arg6: memref<640x128xf32, #tpu.memory_space<hbm>>, %arg7: memref<2x10240x128xf32, #tpu.memory_space<hbm>>, %arg8: memref<79x128xi32, #tpu.memory_space<vmem>>, %arg9: memref<79x128xi32, #tpu.memory_space<vmem>>, %arg10: memref<10128xf32, #tpu.memory_space<vmem>>, %arg11: memref<128x128xf32, #tpu.memory_space<vmem>>, %arg12: memref<10240x128xf32, #tpu.memory_space<vmem_shared>>, %arg13: memref<!tpu.dma_semaphore, #tpu.memory_space<semaphore_mem>>) attributes {dimension_semantics = [#tpu.dimension_semantics<core_parallel>, #tpu.dimension_semantics<subcore_parallel>], iteration_bounds = array<i64: 2, 16>, scalar_prefetch = 0 : i64, scratch_operands = 6 : i64, tpu.core_type = #tpu.core_type<sc_vector_subcore>, window_params = [{transform_indices = #map}, {transform_indices = #map1}, {transform_indices = #map1}, {transform_indices = #map2}, {transform_indices = #map}, {transform_indices = #map1}]} {
    %mul3A = arith.constant 16 : i32
    %mul3A_0 = arith.muli %arg0, %mul3A : i32
    %add3A = arith.addi %mul3A_0, %arg1 : i32
    %mul3A_1 = arith.constant 640 : i32
    %mul3A_2 = arith.muli %arg1, %mul3A_1 : i32
    "tpu.region"() ({
      %run_scoped3A = tpu.sem_alloc : memref<!tpu.dma_semaphore, #tpu.memory_space<semaphore_mem>>
      %dma_start3A = arith.constant 0 : i32
      %dma_start3A_15 = tpu.memref_slice %arg12[%mul3A_2, %dma_start3A] : memref<10240x128xf32, #tpu.memory_space<vmem_shared>> -> memref<640x128xf32, #tpu.memory_space<vmem_shared>>
      tpu.enqueue_dma source(%arg6 : memref<640x128xf32, #tpu.memory_space<hbm>>) target(%dma_start3A_15 : memref<640x128xf32, #tpu.memory_space<vmem_shared>>) target_semaphore(%run_scoped3A : memref<!tpu.dma_semaphore, #tpu.memory_space<semaphore_mem>>)
      %dma_wait3A = arith.constant 0 : i32
      %dma_wait3A_16 = tpu.memref_slice %arg12[%mul3A_2, %dma_wait3A] : memref<10240x128xf32, #tpu.memory_space<vmem_shared>> -> memref<640x128xf32, #tpu.memory_space<vmem_shared>>
      tpu.wait_dma2 semaphore(%run_scoped3A : memref<!tpu.dma_semaphore, #tpu.memory_space<semaphore_mem>>) src(%arg6 : memref<640x128xf32, #tpu.memory_space<hbm>>) dst(%dma_wait3A_16 : memref<640x128xf32, #tpu.memory_space<vmem_shared>>)
      tpu.yield
    }) : () -> ()
    "tpu.region"() ({
      %run_scoped3A = tpu.sem_alloc : memref<!tpu.dma_semaphore, #tpu.memory_space<semaphore_mem>>
      %dma_start3A = arith.constant 0 : i32
      %dma_start3A_15 = arith.constant 0 : i32
      %dma_start3A_16 = tpu.memref_slice %arg3[%add3A, %dma_start3A, %dma_start3A_15] : memref<32x79x128xi32, #tpu.memory_space<hbm>> -> memref<1x79x128xi32, #tpu.memory_space<hbm>>
      %dma_start3A_17 = tpu.memref_squeeze %dma_start3A_16 : memref<1x79x128xi32, #tpu.memory_space<hbm>> -> memref<79x128xi32, #tpu.memory_space<hbm>>
      %dma_start3A_18 = arith.constant 0 : i32
      %dma_start3A_19 = arith.constant 0 : i32
      %dma_start3A_20 = tpu.memref_slice %arg3[%add3A, %dma_start3A_18, %dma_start3A_19] : memref<32x79x128xi32, #tpu.memory_space<hbm>> -> memref<1x79x128xi32, #tpu.memory_space<hbm>>
      %dma_start3A_21 = tpu.memref_squeeze %dma_start3A_20 : memref<1x79x128xi32, #tpu.memory_space<hbm>> -> memref<79x128xi32, #tpu.memory_space<hbm>>
      tpu.enqueue_dma source(%dma_start3A_21 : memref<79x128xi32, #tpu.memory_space<hbm>>) target(%arg8 : memref<79x128xi32, #tpu.memory_space<vmem>>) target_semaphore(%run_scoped3A : memref<!tpu.dma_semaphore, #tpu.memory_space<semaphore_mem>>)
      %dma_wait3A = arith.constant 0 : i32
      %dma_wait3A_22 = arith.constant 0 : i32
      %dma_wait3A_23 = tpu.memref_slice %arg3[%add3A, %dma_wait3A, %dma_wait3A_22] : memref<32x79x128xi32, #tpu.memory_space<hbm>> -> memref<1x79x128xi32, #tpu.memory_space<hbm>>
      %dma_wait3A_24 = tpu.memref_squeeze %dma_wait3A_23 : memref<1x79x128xi32, #tpu.memory_space<hbm>> -> memref<79x128xi32, #tpu.memory_space<hbm>>
      %dma_wait3A_25 = arith.constant 0 : i32
      %dma_wait3A_26 = arith.constant 0 : i32
      %dma_wait3A_27 = tpu.memref_slice %arg3[%add3A, %dma_wait3A_25, %dma_wait3A_26] : memref<32x79x128xi32, #tpu.memory_space<hbm>> -> memref<1x79x128xi32, #tpu.memory_space<hbm>>
      %dma_wait3A_28 = tpu.memref_squeeze %dma_wait3A_27 : memref<1x79x128xi32, #tpu.memory_space<hbm>> -> memref<79x128xi32, #tpu.memory_space<hbm>>
      tpu.wait_dma2 semaphore(%run_scoped3A : memref<!tpu.dma_semaphore, #tpu.memory_space<semaphore_mem>>) src(%dma_wait3A_28 : memref<79x128xi32, #tpu.memory_space<hbm>>) dst(%arg8 : memref<79x128xi32, #tpu.memory_space<vmem>>)
      tpu.yield
    }) : () -> ()
    "tpu.region"() ({
      %run_scoped3A = tpu.sem_alloc : memref<!tpu.dma_semaphore, #tpu.memory_space<semaphore_mem>>
      %dma_start3A = arith.constant 0 : i32
      %dma_start3A_15 = arith.constant 0 : i32
      %dma_start3A_16 = tpu.memref_slice %arg4[%add3A, %dma_start3A, %dma_start3A_15] : memref<32x79x128xi32, #tpu.memory_space<hbm>> -> memref<1x79x128xi32, #tpu.memory_space<hbm>>
      %dma_start3A_17 = tpu.memref_squeeze %dma_start3A_16 : memref<1x79x128xi32, #tpu.memory_space<hbm>> -> memref<79x128xi32, #tpu.memory_space<hbm>>
      %dma_start3A_18 = arith.constant 0 : i32
      %dma_start3A_19 = arith.constant 0 : i32
      %dma_start3A_20 = tpu.memref_slice %arg4[%add3A, %dma_start3A_18, %dma_start3A_19] : memref<32x79x128xi32, #tpu.memory_space<hbm>> -> memref<1x79x128xi32, #tpu.memory_space<hbm>>
      %dma_start3A_21 = tpu.memref_squeeze %dma_start3A_20 : memref<1x79x128xi32, #tpu.memory_space<hbm>> -> memref<79x128xi32, #tpu.memory_space<hbm>>
      tpu.enqueue_dma source(%dma_start3A_21 : memref<79x128xi32, #tpu.memory_space<hbm>>) target(%arg9 : memref<79x128xi32, #tpu.memory_space<vmem>>) target_semaphore(%run_scoped3A : memref<!tpu.dma_semaphore, #tpu.memory_space<semaphore_mem>>)
      %dma_wait3A = arith.constant 0 : i32
      %dma_wait3A_22 = arith.constant 0 : i32
      %dma_wait3A_23 = tpu.memref_slice %arg4[%add3A, %dma_wait3A, %dma_wait3A_22] : memref<32x79x128xi32, #tpu.memory_space<hbm>> -> memref<1x79x128xi32, #tpu.memory_space<hbm>>
      %dma_wait3A_24 = tpu.memref_squeeze %dma_wait3A_23 : memref<1x79x128xi32, #tpu.memory_space<hbm>> -> memref<79x128xi32, #tpu.memory_space<hbm>>
      %dma_wait3A_25 = arith.constant 0 : i32
      %dma_wait3A_26 = arith.constant 0 : i32
      %dma_wait3A_27 = tpu.memref_slice %arg4[%add3A, %dma_wait3A_25, %dma_wait3A_26] : memref<32x79x128xi32, #tpu.memory_space<hbm>> -> memref<1x79x128xi32, #tpu.memory_space<hbm>>
      %dma_wait3A_28 = tpu.memref_squeeze %dma_wait3A_27 : memref<1x79x128xi32, #tpu.memory_space<hbm>> -> memref<79x128xi32, #tpu.memory_space<hbm>>
      tpu.wait_dma2 semaphore(%run_scoped3A : memref<!tpu.dma_semaphore, #tpu.memory_space<semaphore_mem>>) src(%dma_wait3A_28 : memref<79x128xi32, #tpu.memory_space<hbm>>) dst(%arg9 : memref<79x128xi32, #tpu.memory_space<vmem>>)
      tpu.yield
    }) : () -> ()
    %mul3A_3 = arith.constant 10112 : i32
    %mul3A_4 = arith.muli %add3A, %mul3A_3 : i32
    "tpu.region"() ({
      %run_scoped3A = tpu.sem_alloc : memref<!tpu.dma_semaphore, #tpu.memory_space<semaphore_mem>>
      %dma_start3A = arith.constant 0 : i32
      %dma_start3A_15 = tpu.memref_slice %arg10[%dma_start3A] : memref<10128xf32, #tpu.memory_space<vmem>> -> memref<10112xf32, #tpu.memory_space<vmem>>
      %dma_start3A_16 = tpu.memref_slice %arg5[%mul3A_4] : memref<323584xf32, #tpu.memory_space<hbm>> -> memref<10112xf32, #tpu.memory_space<hbm>>
      %dma_start3A_17 = arith.constant 0 : i32
      %dma_start3A_18 = tpu.memref_slice %arg10[%dma_start3A_17] : memref<10128xf32, #tpu.memory_space<vmem>> -> memref<10112xf32, #tpu.memory_space<vmem>>
      %dma_start3A_19 = tpu.memref_slice %arg5[%mul3A_4] : memref<323584xf32, #tpu.memory_space<hbm>> -> memref<10112xf32, #tpu.memory_space<hbm>>
      tpu.enqueue_dma source(%dma_start3A_19 : memref<10112xf32, #tpu.memory_space<hbm>>) target(%dma_start3A_18 : memref<10112xf32, #tpu.memory_space<vmem>>) target_semaphore(%run_scoped3A : memref<!tpu.dma_semaphore, #tpu.memory_space<semaphore_mem>>)
      %dma_wait3A = arith.constant 0 : i32
      %dma_wait3A_20 = tpu.memref_slice %arg10[%dma_wait3A] : memref<10128xf32, #tpu.memory_space<vmem>> -> memref<10112xf32, #tpu.memory_space<vmem>>
      %dma_wait3A_21 = tpu.memref_slice %arg5[%mul3A_4] : memref<323584xf32, #tpu.memory_space<hbm>> -> memref<10112xf32, #tpu.memory_space<hbm>>
      %dma_wait3A_22 = arith.constant 0 : i32
      %dma_wait3A_23 = tpu.memref_slice %arg10[%dma_wait3A_22] : memref<10128xf32, #tpu.memory_space<vmem>> -> memref<10112xf32, #tpu.memory_space<vmem>>
      %dma_wait3A_24 = tpu.memref_slice %arg5[%mul3A_4] : memref<323584xf32, #tpu.memory_space<hbm>> -> memref<10112xf32, #tpu.memory_space<hbm>>
      tpu.wait_dma2 semaphore(%run_scoped3A : memref<!tpu.dma_semaphore, #tpu.memory_space<semaphore_mem>>) src(%dma_wait3A_24 : memref<10112xf32, #tpu.memory_space<hbm>>) dst(%dma_wait3A_23 : memref<10112xf32, #tpu.memory_space<vmem>>)
      tpu.yield
    }) : () -> ()
    %barrier3A = arith.constant 0 : index
    tpu.barrier barrier_id(%barrier3A)
    %scan3A = arith.constant 0 : i32
    %scan3A_5 = arith.constant 0 : i32
    %scan3A_6 = arith.constant 79 : i32
    %scan3A_7 = arith.addi %scan3A_5, %scan3A_6 : i32
    %scan3A_8 = arith.constant 1 : i32
    scf.for %scan3A_15 = %scan3A_5 to %scan3A_7 step %scan3A_8  : i32 {
      %dma_start3A = arith.constant 0 : i32
      %dma_start3A_16 = tpu.memref_slice %arg8[%scan3A_15, %dma_start3A] : memref<79x128xi32, #tpu.memory_space<vmem>> -> memref<1x128xi32, #tpu.memory_space<vmem>>
      %dma_start3A_17 = tpu.memref_squeeze %dma_start3A_16 : memref<1x128xi32, #tpu.memory_space<vmem>> -> memref<128xi32, #tpu.memory_space<vmem>>
      %dma_start3A_18 = arith.constant 0 : i32
      %dma_start3A_19 = arith.constant 0 : i32
      %dma_start3A_20 = tpu.memref_slice %arg2[%dma_start3A_18, %dma_start3A_19] : memref<10000x128xf32, #tpu.memory_space<hbm>> -> memref<10000x128xf32, #tpu.memory_space<hbm>>
      tpu.enqueue_indirect_dma source(%dma_start3A_20 : memref<10000x128xf32, #tpu.memory_space<hbm>>) target(%arg11 : memref<128x128xf32, #tpu.memory_space<vmem>>) offsets(%dma_start3A_17 : memref<128xi32, #tpu.memory_space<vmem>>) semaphore(%arg13 : memref<!tpu.dma_semaphore, #tpu.memory_space<semaphore_mem>>)
      %dma_wait3A = arith.constant 0 : i32
      %dma_wait3A_21 = tpu.memref_slice %arg8[%scan3A_15, %dma_wait3A] : memref<79x128xi32, #tpu.memory_space<vmem>> -> memref<1x128xi32, #tpu.memory_space<vmem>>
      %dma_wait3A_22 = tpu.memref_squeeze %dma_wait3A_21 : memref<1x128xi32, #tpu.memory_space<vmem>> -> memref<128xi32, #tpu.memory_space<vmem>>
      %dma_wait3A_23 = arith.constant 0 : i32
      %dma_wait3A_24 = arith.constant 0 : i32
      %dma_wait3A_25 = tpu.memref_slice %arg2[%dma_wait3A_23, %dma_wait3A_24] : memref<10000x128xf32, #tpu.memory_space<hbm>> -> memref<10000x128xf32, #tpu.memory_space<hbm>>
      tpu.wait_indirect_dma semaphore(%arg13 : memref<!tpu.dma_semaphore, #tpu.memory_space<semaphore_mem>>) src(%dma_wait3A_25 : memref<10000x128xf32, #tpu.memory_space<hbm>>) dst(%arg11 : memref<128x128xf32, #tpu.memory_space<vmem>>)
      %scan3A_26 = arith.constant 0 : i32
      %scan3A_27 = arith.constant 0 : i32
      %scan3A_28 = arith.constant 128 : i32
      %scan3A_29 = arith.addi %scan3A_27, %scan3A_28 : i32
      %scan3A_30 = arith.constant 2 : i32
      scf.for %scan3A_32 = %scan3A_27 to %scan3A_29 step %scan3A_30  : i32 {
        %mul3A_33 = arith.constant 128 : i32
        %mul3A_34 = arith.muli %scan3A_15, %mul3A_33 : i32
        %add3A_35 = arith.addi %mul3A_34, %scan3A_32 : i32
        %get3A = arith.index_cast %add3A_35 : i32 to index
        %get3A_36 = tpu.vector_load %arg10[%get3A] {strides = array<i32>} : memref<10128xf32, #tpu.memory_space<vmem>>, vector<16xf32>,
        %get3A_37 = vector.shape_cast %get3A_36 : vector<16xf32> to vector<16xf32>
        %slice3A = vector.extract_strided_slice %get3A_37 {offsets = [0], sizes = [1], strides = [1]} : vector<16xf32> to vector<1xf32>
        %squeeze3A = vector.extract %slice3A[0] : f32 from vector<1xf32>
        %get3A_38 = arith.index_cast %scan3A_32 : i32 to index
        %get3A_39 = arith.constant 0 : index
        %get3A_40 = tpu.vector_load %arg11[%get3A_38, %get3A_39] {strides = array<i32>} : memref<128x128xf32, #tpu.memory_space<vmem>>, vector<1x16xf32>,
        %get3A_41 = vector.shape_cast %get3A_40 : vector<1x16xf32> to vector<16xf32>
        %mul3A_42 = vector.broadcast %squeeze3A : f32 to vector<16xf32>
        %mul3A_43 = arith.mulf %get3A_41, %mul3A_42 : vector<16xf32>
        %swap3A = arith.index_cast %scan3A_32 : i32 to index
        %swap3A_44 = arith.constant 0 : index
        %swap3A_45 = tpu.vector_load %arg11[%swap3A, %swap3A_44] {strides = array<i32>} : memref<128x128xf32, #tpu.memory_space<vmem>>, vector<1x16xf32>,
        %swap3A_46 = vector.shape_cast %swap3A_45 : vector<1x16xf32> to vector<16xf32>
        %swap3A_47 = vector.shape_cast %mul3A_43 : vector<16xf32> to vector<1x16xf32>
        tpu.vector_store %arg11[%swap3A, %swap3A_44], %swap3A_47 {strides = array<i32>} : memref<128x128xf32, #tpu.memory_space<vmem>>, vector<1x16xf32>,
        %get3A_48 = arith.index_cast %scan3A_32 : i32 to index
        %get3A_49 = arith.constant 16 : index
        %get3A_50 = tpu.vector_load %arg11[%get3A_48, %get3A_49] {strides = array<i32>} : memref<128x128xf32, #tpu.memory_space<vmem>>, vector<1x16xf32>,
        %get3A_51 = vector.shape_cast %get3A_50 : vector<1x16xf32> to vector<16xf32>
        %mul3A_52 = vector.broadcast %squeeze3A : f32 to vector<16xf32>
        %mul3A_53 = arith.mulf %get3A_51, %mul3A_52 : vector<16xf32>
        %swap3A_54 = arith.index_cast %scan3A_32 : i32 to index
        %swap3A_55 = arith.constant 16 : index
        %swap3A_56 = tpu.vector_load %arg11[%swap3A_54, %swap3A_55] {strides = array<i32>} : memref<128x128xf32, #tpu.memory_space<vmem>>, vector<1x16xf32>,
        %swap3A_57 = vector.shape_cast %swap3A_56 : vector<1x16xf32> to vector<16xf32>
        %swap3A_58 = vector.shape_cast %mul3A_53 : vector<16xf32> to vector<1x16xf32>
        tpu.vector_store %arg11[%swap3A_54, %swap3A_55], %swap3A_58 {strides = array<i32>} : memref<128x128xf32, #tpu.memory_space<vmem>>, vector<1x16xf32>,
        %get3A_59 = arith.index_cast %scan3A_32 : i32 to index
        %get3A_60 = arith.constant 32 : index
        %get3A_61 = tpu.vector_load %arg11[%get3A_59, %get3A_60] {strides = array<i32>} : memref<128x128xf32, #tpu.memory_space<vmem>>, vector<1x16xf32>,
        %get3A_62 = vector.shape_cast %get3A_61 : vector<1x16xf32> to vector<16xf32>
        %mul3A_63 = vector.broadcast %squeeze3A : f32 to vector<16xf32>
        %mul3A_64 = arith.mulf %get3A_62, %mul3A_63 : vector<16xf32>
        %swap3A_65 = arith.index_cast %scan3A_32 : i32 to index
        %swap3A_66 = arith.constant 32 : index
        %swap3A_67 = tpu.vector_load %arg11[%swap3A_65, %swap3A_66] {strides = array<i32>} : memref<128x128xf32, #tpu.memory_space<vmem>>, vector<1x16xf32>,
        %swap3A_68 = vector.shape_cast %swap3A_67 : vector<1x16xf32> to vector<16xf32>
        %swap3A_69 = vector.shape_cast %mul3A_64 : vector<16xf32> to vector<1x16xf32>
        tpu.vector_store %arg11[%swap3A_65, %swap3A_66], %swap3A_69 {strides = array<i32>} : memref<128x128xf32, #tpu.memory_space<vmem>>, vector<1x16xf32>,
        %get3A_70 = arith.index_cast %scan3A_32 : i32 to index
        %get3A_71 = arith.constant 48 : index
        %get3A_72 = tpu.vector_load %arg11[%get3A_70, %get3A_71] {strides = array<i32>} : memref<128x128xf32, #tpu.memory_space<vmem>>, vector<1x16xf32>,
        %get3A_73 = vector.shape_cast %get3A_72 : vector<1x16xf32> to vector<16xf32>
        %mul3A_74 = vector.broadcast %squeeze3A : f32 to vector<16xf32>
        %mul3A_75 = arith.mulf %get3A_73, %mul3A_74 : vector<16xf32>
        %swap3A_76 = arith.index_cast %scan3A_32 : i32 to index
        %swap3A_77 = arith.constant 48 : index
        %swap3A_78 = tpu.vector_load %arg11[%swap3A_76, %swap3A_77] {strides = array<i32>} : memref<128x128xf32, #tpu.memory_space<vmem>>, vector<1x16xf32>,
        %swap3A_79 = vector.shape_cast %swap3A_78 : vector<1x16xf32> to vector<16xf32>
        %swap3A_80 = vector.shape_cast %mul3A_75 : vector<16xf32> to vector<1x16xf32>
        tpu.vector_store %arg11[%swap3A_76, %swap3A_77], %swap3A_80 {strides = array<i32>} : memref<128x128xf32, #tpu.memory_space<vmem>>, vector<1x16xf32>,
        %get3A_81 = arith.index_cast %scan3A_32 : i32 to index
        %get3A_82 = arith.constant 64 : index
        %get3A_83 = tpu.vector_load %arg11[%get3A_81, %get3A_82] {strides = array<i32>} : memref<128x128xf32, #tpu.memory_space<vmem>>, vector<1x16xf32>,
        %get3A_84 = vector.shape_cast %get3A_83 : vector<1x16xf32> to vector<16xf32>
        %mul3A_85 = vector.broadcast %squeeze3A : f32 to vector<16xf32>
        %mul3A_86 = arith.mulf %get3A_84, %mul3A_85 : vector<16xf32>
        %swap3A_87 = arith.index_cast %scan3A_32 : i32 to index
        %swap3A_88 = arith.constant 64 : index
        %swap3A_89 = tpu.vector_load %arg11[%swap3A_87, %swap3A_88] {strides = array<i32>} : memref<128x128xf32, #tpu.memory_space<vmem>>, vector<1x16xf32>,
        %swap3A_90 = vector.shape_cast %swap3A_89 : vector<1x16xf32> to vector<16xf32>
        %swap3A_91 = vector.shape_cast %mul3A_86 : vector<16xf32> to vector<1x16xf32>
        tpu.vector_store %arg11[%swap3A_87, %swap3A_88], %swap3A_91 {strides = array<i32>} : memref<128x128xf32, #tpu.memory_space<vmem>>, vector<1x16xf32>,
        %get3A_92 = arith.index_cast %scan3A_32 : i32 to index
        %get3A_93 = arith.constant 80 : index
        %get3A_94 = tpu.vector_load %arg11[%get3A_92, %get3A_93] {strides = array<i32>} : memref<128x128xf32, #tpu.memory_space<vmem>>, vector<1x16xf32>,
        %get3A_95 = vector.shape_cast %get3A_94 : vector<1x16xf32> to vector<16xf32>
        %mul3A_96 = vector.broadcast %squeeze3A : f32 to vector<16xf32>
        %mul3A_97 = arith.mulf %get3A_95, %mul3A_96 : vector<16xf32>
        %swap3A_98 = arith.index_cast %scan3A_32 : i32 to index
        %swap3A_99 = arith.constant 80 : index
        %swap3A_100 = tpu.vector_load %arg11[%swap3A_98, %swap3A_99] {strides = array<i32>} : memref<128x128xf32, #tpu.memory_space<vmem>>, vector<1x16xf32>,
        %swap3A_101 = vector.shape_cast %swap3A_100 : vector<1x16xf32> to vector<16xf32>
        %swap3A_102 = vector.shape_cast %mul3A_97 : vector<16xf32> to vector<1x16xf32>
        tpu.vector_store %arg11[%swap3A_98, %swap3A_99], %swap3A_102 {strides = array<i32>} : memref<128x128xf32, #tpu.memory_space<vmem>>, vector<1x16xf32>,
        %get3A_103 = arith.index_cast %scan3A_32 : i32 to index
        %get3A_104 = arith.constant 96 : index
        %get3A_105 = tpu.vector_load %arg11[%get3A_103, %get3A_104] {strides = array<i32>} : memref<128x128xf32, #tpu.memory_space<vmem>>, vector<1x16xf32>,
        %get3A_106 = vector.shape_cast %get3A_105 : vector<1x16xf32> to vector<16xf32>
        %mul3A_107 = vector.broadcast %squeeze3A : f32 to vector<16xf32>
        %mul3A_108 = arith.mulf %get3A_106, %mul3A_107 : vector<16xf32>
        %swap3A_109 = arith.index_cast %scan3A_32 : i32 to index
        %swap3A_110 = arith.constant 96 : index
        %swap3A_111 = tpu.vector_load %arg11[%swap3A_109, %swap3A_110] {strides = array<i32>} : memref<128x128xf32, #tpu.memory_space<vmem>>, vector<1x16xf32>,
        %swap3A_112 = vector.shape_cast %swap3A_111 : vector<1x16xf32> to vector<16xf32>
        %swap3A_113 = vector.shape_cast %mul3A_108 : vector<16xf32> to vector<1x16xf32>
        tpu.vector_store %arg11[%swap3A_109, %swap3A_110], %swap3A_113 {strides = array<i32>} : memref<128x128xf32, #tpu.memory_space<vmem>>, vector<1x16xf32>,
        %get3A_114 = arith.index_cast %scan3A_32 : i32 to index
        %get3A_115 = arith.constant 112 : index
        %get3A_116 = tpu.vector_load %arg11[%get3A_114, %get3A_115] {strides = array<i32>} : memref<128x128xf32, #tpu.memory_space<vmem>>, vector<1x16xf32>,
        %get3A_117 = vector.shape_cast %get3A_116 : vector<1x16xf32> to vector<16xf32>
        %mul3A_118 = vector.broadcast %squeeze3A : f32 to vector<16xf32>
        %mul3A_119 = arith.mulf %get3A_117, %mul3A_118 : vector<16xf32>
        %swap3A_120 = arith.index_cast %scan3A_32 : i32 to index
        %swap3A_121 = arith.constant 112 : index
        %swap3A_122 = tpu.vector_load %arg11[%swap3A_120, %swap3A_121] {strides = array<i32>} : memref<128x128xf32, #tpu.memory_space<vmem>>, vector<1x16xf32>,
        %swap3A_123 = vector.shape_cast %swap3A_122 : vector<1x16xf32> to vector<16xf32>
        %swap3A_124 = vector.shape_cast %mul3A_119 : vector<16xf32> to vector<1x16xf32>
        tpu.vector_store %arg11[%swap3A_120, %swap3A_121], %swap3A_124 {strides = array<i32>} : memref<128x128xf32, #tpu.memory_space<vmem>>, vector<1x16xf32>,
        %scan3A_125 = arith.constant 1 : i32
        %scan3A_126 = arith.addi %scan3A_32, %scan3A_125 : i32
        %mul3A_127 = arith.constant 128 : i32
        %mul3A_128 = arith.muli %scan3A_15, %mul3A_127 : i32
        %add3A_129 = arith.addi %mul3A_128, %scan3A_126 : i32
        %get3A_130 = arith.index_cast %add3A_129 : i32 to index
        %get3A_131 = tpu.vector_load %arg10[%get3A_130] {strides = array<i32>} : memref<10128xf32, #tpu.memory_space<vmem>>, vector<16xf32>,
        %get3A_132 = vector.shape_cast %get3A_131 : vector<16xf32> to vector<16xf32>
        %slice3A_133 = vector.extract_strided_slice %get3A_132 {offsets = [0], sizes = [1], strides = [1]} : vector<16xf32> to vector<1xf32>
        %squeeze3A_134 = vector.extract %slice3A_133[0] : f32 from vector<1xf32>
        %get3A_135 = arith.index_cast %scan3A_126 : i32 to index
        %get3A_136 = arith.constant 0 : index
        %get3A_137 = tpu.vector_load %arg11[%get3A_135, %get3A_136] {strides = array<i32>} : memref<128x128xf32, #tpu.memory_space<vmem>>, vector<1x16xf32>,
        %get3A_138 = vector.shape_cast %get3A_137 : vector<1x16xf32> to vector<16xf32>
        %mul3A_139 = vector.broadcast %squeeze3A_134 : f32 to vector<16xf32>
        %mul3A_140 = arith.mulf %get3A_138, %mul3A_139 : vector<16xf32>
        %swap3A_141 = arith.index_cast %scan3A_126 : i32 to index
        %swap3A_142 = arith.constant 0 : index
        %swap3A_143 = tpu.vector_load %arg11[%swap3A_141, %swap3A_142] {strides = array<i32>} : memref<128x128xf32, #tpu.memory_space<vmem>>, vector<1x16xf32>,
        %swap3A_144 = vector.shape_cast %swap3A_143 : vector<1x16xf32> to vector<16xf32>
        %swap3A_145 = vector.shape_cast %mul3A_140 : vector<16xf32> to vector<1x16xf32>
        tpu.vector_store %arg11[%swap3A_141, %swap3A_142], %swap3A_145 {strides = array<i32>} : memref<128x128xf32, #tpu.memory_space<vmem>>, vector<1x16xf32>,
        %get3A_146 = arith.index_cast %scan3A_126 : i32 to index
        %get3A_147 = arith.constant 16 : index
        %get3A_148 = tpu.vector_load %arg11[%get3A_146, %get3A_147] {strides = array<i32>} : memref<128x128xf32, #tpu.memory_space<vmem>>, vector<1x16xf32>,
        %get3A_149 = vector.shape_cast %get3A_148 : vector<1x16xf32> to vector<16xf32>
        %mul3A_150 = vector.broadcast %squeeze3A_134 : f32 to vector<16xf32>
        %mul3A_151 = arith.mulf %get3A_149, %mul3A_150 : vector<16xf32>
        %swap3A_152 = arith.index_cast %scan3A_126 : i32 to index
        %swap3A_153 = arith.constant 16 : index
        %swap3A_154 = tpu.vector_load %arg11[%swap3A_152, %swap3A_153] {strides = array<i32>} : memref<128x128xf32, #tpu.memory_space<vmem>>, vector<1x16xf32>,
        %swap3A_155 = vector.shape_cast %swap3A_154 : vector<1x16xf32> to vector<16xf32>
        %swap3A_156 = vector.shape_cast %mul3A_151 : vector<16xf32> to vector<1x16xf32>
        tpu.vector_store %arg11[%swap3A_152, %swap3A_153], %swap3A_156 {strides = array<i32>} : memref<128x128xf32, #tpu.memory_space<vmem>>, vector<1x16xf32>,
        %get3A_157 = arith.index_cast %scan3A_126 : i32 to index
        %get3A_158 = arith.constant 32 : index
        %get3A_159 = tpu.vector_load %arg11[%get3A_157, %get3A_158] {strides = array<i32>} : memref<128x128xf32, #tpu.memory_space<vmem>>, vector<1x16xf32>,
        %get3A_160 = vector.shape_cast %get3A_159 : vector<1x16xf32> to vector<16xf32>
        %mul3A_161 = vector.broadcast %squeeze3A_134 : f32 to vector<16xf32>
        %mul3A_162 = arith.mulf %get3A_160, %mul3A_161 : vector<16xf32>
        %swap3A_163 = arith.index_cast %scan3A_126 : i32 to index
        %swap3A_164 = arith.constant 32 : index
        %swap3A_165 = tpu.vector_load %arg11[%swap3A_163, %swap3A_164] {strides = array<i32>} : memref<128x128xf32, #tpu.memory_space<vmem>>, vector<1x16xf32>,
        %swap3A_166 = vector.shape_cast %swap3A_165 : vector<1x16xf32> to vector<16xf32>
        %swap3A_167 = vector.shape_cast %mul3A_162 : vector<16xf32> to vector<1x16xf32>
        tpu.vector_store %arg11[%swap3A_163, %swap3A_164], %swap3A_167 {strides = array<i32>} : memref<128x128xf32, #tpu.memory_space<vmem>>, vector<1x16xf32>,
        %get3A_168 = arith.index_cast %scan3A_126 : i32 to index
        %get3A_169 = arith.constant 48 : index
        %get3A_170 = tpu.vector_load %arg11[%get3A_168, %get3A_169] {strides = array<i32>} : memref<128x128xf32, #tpu.memory_space<vmem>>, vector<1x16xf32>,
        %get3A_171 = vector.shape_cast %get3A_170 : vector<1x16xf32> to vector<16xf32>
        %mul3A_172 = vector.broadcast %squeeze3A_134 : f32 to vector<16xf32>
        %mul3A_173 = arith.mulf %get3A_171, %mul3A_172 : vector<16xf32>
        %swap3A_174 = arith.index_cast %scan3A_126 : i32 to index
        %swap3A_175 = arith.constant 48 : index
        %swap3A_176 = tpu.vector_load %arg11[%swap3A_174, %swap3A_175] {strides = array<i32>} : memref<128x128xf32, #tpu.memory_space<vmem>>, vector<1x16xf32>,
        %swap3A_177 = vector.shape_cast %swap3A_176 : vector<1x16xf32> to vector<16xf32>
        %swap3A_178 = vector.shape_cast %mul3A_173 : vector<16xf32> to vector<1x16xf32>
        tpu.vector_store %arg11[%swap3A_174, %swap3A_175], %swap3A_178 {strides = array<i32>} : memref<128x128xf32, #tpu.memory_space<vmem>>, vector<1x16xf32>,
        %get3A_179 = arith.index_cast %scan3A_126 : i32 to index
        %get3A_180 = arith.constant 64 : index
        %get3A_181 = tpu.vector_load %arg11[%get3A_179, %get3A_180] {strides = array<i32>} : memref<128x128xf32, #tpu.memory_space<vmem>>, vector<1x16xf32>,
        %get3A_182 = vector.shape_cast %get3A_181 : vector<1x16xf32> to vector<16xf32>
        %mul3A_183 = vector.broadcast %squeeze3A_134 : f32 to vector<16xf32>
        %mul3A_184 = arith.mulf %get3A_182, %mul3A_183 : vector<16xf32>
        %swap3A_185 = arith.index_cast %scan3A_126 : i32 to index
        %swap3A_186 = arith.constant 64 : index
        %swap3A_187 = tpu.vector_load %arg11[%swap3A_185, %swap3A_186] {strides = array<i32>} : memref<128x128xf32, #tpu.memory_space<vmem>>, vector<1x16xf32>,
        %swap3A_188 = vector.shape_cast %swap3A_187 : vector<1x16xf32> to vector<16xf32>
        %swap3A_189 = vector.shape_cast %mul3A_184 : vector<16xf32> to vector<1x16xf32>
        tpu.vector_store %arg11[%swap3A_185, %swap3A_186], %swap3A_189 {strides = array<i32>} : memref<128x128xf32, #tpu.memory_space<vmem>>, vector<1x16xf32>,
        %get3A_190 = arith.index_cast %scan3A_126 : i32 to index
        %get3A_191 = arith.constant 80 : index
        %get3A_192 = tpu.vector_load %arg11[%get3A_190, %get3A_191] {strides = array<i32>} : memref<128x128xf32, #tpu.memory_space<vmem>>, vector<1x16xf32>,
        %get3A_193 = vector.shape_cast %get3A_192 : vector<1x16xf32> to vector<16xf32>
        %mul3A_194 = vector.broadcast %squeeze3A_134 : f32 to vector<16xf32>
        %mul3A_195 = arith.mulf %get3A_193, %mul3A_194 : vector<16xf32>
        %swap3A_196 = arith.index_cast %scan3A_126 : i32 to index
        %swap3A_197 = arith.constant 80 : index
        %swap3A_198 = tpu.vector_load %arg11[%swap3A_196, %swap3A_197] {strides = array<i32>} : memref<128x128xf32, #tpu.memory_space<vmem>>, vector<1x16xf32>,
        %swap3A_199 = vector.shape_cast %swap3A_198 : vector<1x16xf32> to vector<16xf32>
        %swap3A_200 = vector.shape_cast %mul3A_195 : vector<16xf32> to vector<1x16xf32>
        tpu.vector_store %arg11[%swap3A_196, %swap3A_197], %swap3A_200 {strides = array<i32>} : memref<128x128xf32, #tpu.memory_space<vmem>>, vector<1x16xf32>,
        %get3A_201 = arith.index_cast %scan3A_126 : i32 to index
        %get3A_202 = arith.constant 96 : index
        %get3A_203 = tpu.vector_load %arg11[%get3A_201, %get3A_202] {strides = array<i32>} : memref<128x128xf32, #tpu.memory_space<vmem>>, vector<1x16xf32>,
        %get3A_204 = vector.shape_cast %get3A_203 : vector<1x16xf32> to vector<16xf32>
        %mul3A_205 = vector.broadcast %squeeze3A_134 : f32 to vector<16xf32>
        %mul3A_206 = arith.mulf %get3A_204, %mul3A_205 : vector<16xf32>
        %swap3A_207 = arith.index_cast %scan3A_126 : i32 to index
        %swap3A_208 = arith.constant 96 : index
        %swap3A_209 = tpu.vector_load %arg11[%swap3A_207, %swap3A_208] {strides = array<i32>} : memref<128x128xf32, #tpu.memory_space<vmem>>, vector<1x16xf32>,
        %swap3A_210 = vector.shape_cast %swap3A_209 : vector<1x16xf32> to vector<16xf32>
        %swap3A_211 = vector.shape_cast %mul3A_206 : vector<16xf32> to vector<1x16xf32>
        tpu.vector_store %arg11[%swap3A_207, %swap3A_208], %swap3A_211 {strides = array<i32>} : memref<128x128xf32, #tpu.memory_space<vmem>>, vector<1x16xf32>,
        %get3A_212 = arith.index_cast %scan3A_126 : i32 to index
        %get3A_213 = arith.constant 112 : index
        %get3A_214 = tpu.vector_load %arg11[%get3A_212, %get3A_213] {strides = array<i32>} : memref<128x128xf32, #tpu.memory_space<vmem>>, vector<1x16xf32>,
        %get3A_215 = vector.shape_cast %get3A_214 : vector<1x16xf32> to vector<16xf32>
        %mul3A_216 = vector.broadcast %squeeze3A_134 : f32 to vector<16xf32>
        %mul3A_217 = arith.mulf %get3A_215, %mul3A_216 : vector<16xf32>
        %swap3A_218 = arith.index_cast %scan3A_126 : i32 to index
        %swap3A_219 = arith.constant 112 : index
        %swap3A_220 = tpu.vector_load %arg11[%swap3A_218, %swap3A_219] {strides = array<i32>} : memref<128x128xf32, #tpu.memory_space<vmem>>, vector<1x16xf32>,
        %swap3A_221 = vector.shape_cast %swap3A_220 : vector<1x16xf32> to vector<16xf32>
        %swap3A_222 = vector.shape_cast %mul3A_217 : vector<16xf32> to vector<1x16xf32>
        tpu.vector_store %arg11[%swap3A_218, %swap3A_219], %swap3A_222 {strides = array<i32>} : memref<128x128xf32, #tpu.memory_space<vmem>>, vector<1x16xf32>,
      }
      %scan3A_31 = arith.constant 128 : i32
      "tpu.region"() ({
        %run_scoped3A = tpu.sem_alloc : memref<!tpu.dma_semaphore, #tpu.memory_space<semaphore_mem>>
        %dma_start3A_32 = arith.constant 0 : i32
        %dma_start3A_33 = tpu.memref_slice %arg9[%scan3A_15, %dma_start3A_32] : memref<79x128xi32, #tpu.memory_space<vmem>> -> memref<1x128xi32, #tpu.memory_space<vmem>>
        %dma_start3A_34 = tpu.memref_squeeze %dma_start3A_33 : memref<1x128xi32, #tpu.memory_space<vmem>> -> memref<128xi32, #tpu.memory_space<vmem>>
        %dma_start3A_35 = arith.constant 0 : i32
        %dma_start3A_36 = arith.constant 0 : i32
        %dma_start3A_37 = tpu.memref_slice %arg12[%dma_start3A_35, %dma_start3A_36] : memref<10240x128xf32, #tpu.memory_space<vmem_shared>> -> memref<10240x128xf32, #tpu.memory_space<vmem_shared>>
        tpu.enqueue_indirect_dma source(%arg11 : memref<128x128xf32, #tpu.memory_space<vmem>>) target(%dma_start3A_37 : memref<10240x128xf32, #tpu.memory_space<vmem_shared>>) offsets(%dma_start3A_34 : memref<128xi32, #tpu.memory_space<vmem>>) semaphore(%run_scoped3A : memref<!tpu.dma_semaphore, #tpu.memory_space<semaphore_mem>>) {add = true}
        %dma_wait3A_38 = arith.constant 0 : i32
        %dma_wait3A_39 = tpu.memref_slice %arg9[%scan3A_15, %dma_wait3A_38] : memref<79x128xi32, #tpu.memory_space<vmem>> -> memref<1x128xi32, #tpu.memory_space<vmem>>
        %dma_wait3A_40 = tpu.memref_squeeze %dma_wait3A_39 : memref<1x128xi32, #tpu.memory_space<vmem>> -> memref<128xi32, #tpu.memory_space<vmem>>
        %dma_wait3A_41 = arith.constant 0 : i32
        %dma_wait3A_42 = arith.constant 0 : i32
        %dma_wait3A_43 = tpu.memref_slice %arg12[%dma_wait3A_41, %dma_wait3A_42] : memref<10240x128xf32, #tpu.memory_space<vmem_shared>> -> memref<10240x128xf32, #tpu.memory_space<vmem_shared>>
        tpu.wait_indirect_dma semaphore(%run_scoped3A : memref<!tpu.dma_semaphore, #tpu.memory_space<semaphore_mem>>) src(%arg11 : memref<128x128xf32, #tpu.memory_space<vmem>>) dst(%dma_wait3A_43 : memref<10240x128xf32, #tpu.memory_space<vmem_shared>>)
        tpu.yield
      }) : () -> ()
    }
    %scan3A_9 = arith.constant 79 : i32
    %barrier3A_10 = arith.constant 0 : index
    tpu.barrier barrier_id(%barrier3A_10)
    %mul3A_11 = arith.constant 640 : i32
    %mul3A_12 = arith.muli %arg1, %mul3A_11 : i32
    %mul3A_13 = arith.constant 640 : i32
    %mul3A_14 = arith.muli %arg1, %mul3A_13 : i32
    "tpu.region"() ({
      %run_scoped3A = tpu.sem_alloc : memref<!tpu.dma_semaphore, #tpu.memory_space<semaphore_mem>>
      %dma_start3A = arith.constant 0 : i32
      %dma_start3A_15 = tpu.memref_slice %arg7[%arg0, %mul3A_14, %dma_start3A] : memref<2x10240x128xf32, #tpu.memory_space<hbm>> -> memref<1x640x128xf32, #tpu.memory_space<hbm>>
      %dma_start3A_16 = tpu.memref_squeeze %dma_start3A_15 : memref<1x640x128xf32, #tpu.memory_space<hbm>> -> memref<640x128xf32, #tpu.memory_space<hbm>>
      %dma_start3A_17 = arith.constant 0 : i32
      %dma_start3A_18 = tpu.memref_slice %arg12[%mul3A_12, %dma_start3A_17] : memref<10240x128xf32, #tpu.memory_space<vmem_shared>> -> memref<640x128xf32, #tpu.memory_space<vmem_shared>>
      tpu.enqueue_dma source(%dma_start3A_18 : memref<640x128xf32, #tpu.memory_space<vmem_shared>>) target(%dma_start3A_16 : memref<640x128xf32, #tpu.memory_space<hbm>>) target_semaphore(%run_scoped3A : memref<!tpu.dma_semaphore, #tpu.memory_space<semaphore_mem>>)
      %dma_wait3A = arith.constant 0 : i32
      %dma_wait3A_19 = tpu.memref_slice %arg7[%arg0, %mul3A_14, %dma_wait3A] : memref<2x10240x128xf32, #tpu.memory_space<hbm>> -> memref<1x640x128xf32, #tpu.memory_space<hbm>>
      %dma_wait3A_20 = tpu.memref_squeeze %dma_wait3A_19 : memref<1x640x128xf32, #tpu.memory_space<hbm>> -> memref<640x128xf32, #tpu.memory_space<hbm>>
      %dma_wait3A_21 = arith.constant 0 : i32
      %dma_wait3A_22 = tpu.memref_slice %arg12[%mul3A_12, %dma_wait3A_21] : memref<10240x128xf32, #tpu.memory_space<vmem_shared>> -> memref<640x128xf32, #tpu.memory_space<vmem_shared>>
      tpu.wait_dma2 semaphore(%run_scoped3A : memref<!tpu.dma_semaphore, #tpu.memory_space<semaphore_mem>>) src(%dma_wait3A_22 : memref<640x128xf32, #tpu.memory_space<vmem_shared>>) dst(%dma_wait3A_20 : memref<640x128xf32, #tpu.memory_space<hbm>>)
      tpu.yield
    }) : () -> ()
    return
  }
}

#map = affine_map<(d0, d1) -> (0, 0)>
#map1 = affine_map<(d0, d1) -> (0, 0, 0)>
#map2 = affine_map<(d0, d1) -> (0)>
module attributes {stable_mosaic.version = 14 : i64} {
  func.func @_spmm_sc(%arg0: i32, %arg1: i32, %arg2: memref<10000x128xf32, #tpu.memory_space<hbm>>, %arg3: memref<32x79x128xi32, #tpu.memory_space<hbm>>, %arg4: memref<32x79x128xi32, #tpu.memory_space<hbm>>, %arg5: memref<323584xf32, #tpu.memory_space<hbm>>, %arg6: memref<640x128xf32, #tpu.memory_space<hbm>>, %arg7: memref<2x10240x128xf32, #tpu.memory_space<hbm>>, %arg8: memref<79x128xi32, #tpu.memory_space<vmem>>, %arg9: memref<79x128xi32, #tpu.memory_space<vmem>>, %arg10: memref<10128xf32, #tpu.memory_space<vmem>>, %arg11: memref<128x128xf32, #tpu.memory_space<vmem>>, %arg12: memref<10240x128xf32, #tpu.memory_space<vmem_shared>>, %arg13: memref<!tpu.dma_semaphore, #tpu.memory_space<semaphore_mem>>) attributes {dimension_semantics = [#tpu.dimension_semantics<core_parallel>, #tpu.dimension_semantics<subcore_parallel>], iteration_bounds = array<i64: 2, 16>, scalar_prefetch = 0 : i64, scratch_operands = 6 : i64, tpu.core_type = #tpu.core_type<sc_vector_subcore>, window_params = [{transform_indices = #map}, {transform_indices = #map1}, {transform_indices = #map1}, {transform_indices = #map2}, {transform_indices = #map}, {transform_indices = #map1}]} {
    %mul3A = arith.constant 16 : i32
    %mul3A_0 = arith.muli %arg0, %mul3A : i32
    %add3A = arith.addi %mul3A_0, %arg1 : i32
    %mul3A_1 = arith.constant 640 : i32
    %mul3A_2 = arith.muli %arg1, %mul3A_1 : i32
    "tpu.region"() ({
      %run_scoped3A = tpu.sem_alloc : memref<!tpu.dma_semaphore, #tpu.memory_space<semaphore_mem>>
      %dma_start3A = arith.constant 0 : i32
      %dma_start3A_15 = tpu.memref_slice %arg12[%mul3A_2, %dma_start3A] : memref<10240x128xf32, #tpu.memory_space<vmem_shared>> -> memref<640x128xf32, #tpu.memory_space<vmem_shared>>
      tpu.enqueue_dma source(%arg6 : memref<640x128xf32, #tpu.memory_space<hbm>>) target(%dma_start3A_15 : memref<640x128xf32, #tpu.memory_space<vmem_shared>>) target_semaphore(%run_scoped3A : memref<!tpu.dma_semaphore, #tpu.memory_space<semaphore_mem>>)
      %dma_wait3A = arith.constant 0 : i32
      %dma_wait3A_16 = tpu.memref_slice %arg12[%mul3A_2, %dma_wait3A] : memref<10240x128xf32, #tpu.memory_space<vmem_shared>> -> memref<640x128xf32, #tpu.memory_space<vmem_shared>>
      tpu.wait_dma2 semaphore(%run_scoped3A : memref<!tpu.dma_semaphore, #tpu.memory_space<semaphore_mem>>) src(%arg6 : memref<640x128xf32, #tpu.memory_space<hbm>>) dst(%dma_wait3A_16 : memref<640x128xf32, #tpu.memory_space<vmem_shared>>)
      tpu.yield
    }) : () -> ()
    "tpu.region"() ({
      %run_scoped3A = tpu.sem_alloc : memref<!tpu.dma_semaphore, #tpu.memory_space<semaphore_mem>>
      %dma_start3A = arith.constant 0 : i32
      %dma_start3A_15 = arith.constant 0 : i32
      %dma_start3A_16 = tpu.memref_slice %arg3[%add3A, %dma_start3A, %dma_start3A_15] : memref<32x79x128xi32, #tpu.memory_space<hbm>> -> memref<1x79x128xi32, #tpu.memory_space<hbm>>
      %dma_start3A_17 = tpu.memref_squeeze %dma_start3A_16 : memref<1x79x128xi32, #tpu.memory_space<hbm>> -> memref<79x128xi32, #tpu.memory_space<hbm>>
      %dma_start3A_18 = arith.constant 0 : i32
      %dma_start3A_19 = arith.constant 0 : i32
      %dma_start3A_20 = tpu.memref_slice %arg3[%add3A, %dma_start3A_18, %dma_start3A_19] : memref<32x79x128xi32, #tpu.memory_space<hbm>> -> memref<1x79x128xi32, #tpu.memory_space<hbm>>
      %dma_start3A_21 = tpu.memref_squeeze %dma_start3A_20 : memref<1x79x128xi32, #tpu.memory_space<hbm>> -> memref<79x128xi32, #tpu.memory_space<hbm>>
      tpu.enqueue_dma source(%dma_start3A_21 : memref<79x128xi32, #tpu.memory_space<hbm>>) target(%arg8 : memref<79x128xi32, #tpu.memory_space<vmem>>) target_semaphore(%run_scoped3A : memref<!tpu.dma_semaphore, #tpu.memory_space<semaphore_mem>>)
      %dma_wait3A = arith.constant 0 : i32
      %dma_wait3A_22 = arith.constant 0 : i32
      %dma_wait3A_23 = tpu.memref_slice %arg3[%add3A, %dma_wait3A, %dma_wait3A_22] : memref<32x79x128xi32, #tpu.memory_space<hbm>> -> memref<1x79x128xi32, #tpu.memory_space<hbm>>
      %dma_wait3A_24 = tpu.memref_squeeze %dma_wait3A_23 : memref<1x79x128xi32, #tpu.memory_space<hbm>> -> memref<79x128xi32, #tpu.memory_space<hbm>>
      %dma_wait3A_25 = arith.constant 0 : i32
      %dma_wait3A_26 = arith.constant 0 : i32
      %dma_wait3A_27 = tpu.memref_slice %arg3[%add3A, %dma_wait3A_25, %dma_wait3A_26] : memref<32x79x128xi32, #tpu.memory_space<hbm>> -> memref<1x79x128xi32, #tpu.memory_space<hbm>>
      %dma_wait3A_28 = tpu.memref_squeeze %dma_wait3A_27 : memref<1x79x128xi32, #tpu.memory_space<hbm>> -> memref<79x128xi32, #tpu.memory_space<hbm>>
      tpu.wait_dma2 semaphore(%run_scoped3A : memref<!tpu.dma_semaphore, #tpu.memory_space<semaphore_mem>>) src(%dma_wait3A_28 : memref<79x128xi32, #tpu.memory_space<hbm>>) dst(%arg8 : memref<79x128xi32, #tpu.memory_space<vmem>>)
      tpu.yield
    }) : () -> ()
    "tpu.region"() ({
      %run_scoped3A = tpu.sem_alloc : memref<!tpu.dma_semaphore, #tpu.memory_space<semaphore_mem>>
      %dma_start3A = arith.constant 0 : i32
      %dma_start3A_15 = arith.constant 0 : i32
      %dma_start3A_16 = tpu.memref_slice %arg4[%add3A, %dma_start3A, %dma_start3A_15] : memref<32x79x128xi32, #tpu.memory_space<hbm>> -> memref<1x79x128xi32, #tpu.memory_space<hbm>>
      %dma_start3A_17 = tpu.memref_squeeze %dma_start3A_16 : memref<1x79x128xi32, #tpu.memory_space<hbm>> -> memref<79x128xi32, #tpu.memory_space<hbm>>
      %dma_start3A_18 = arith.constant 0 : i32
      %dma_start3A_19 = arith.constant 0 : i32
      %dma_start3A_20 = tpu.memref_slice %arg4[%add3A, %dma_start3A_18, %dma_start3A_19] : memref<32x79x128xi32, #tpu.memory_space<hbm>> -> memref<1x79x128xi32, #tpu.memory_space<hbm>>
      %dma_start3A_21 = tpu.memref_squeeze %dma_start3A_20 : memref<1x79x128xi32, #tpu.memory_space<hbm>> -> memref<79x128xi32, #tpu.memory_space<hbm>>
      tpu.enqueue_dma source(%dma_start3A_21 : memref<79x128xi32, #tpu.memory_space<hbm>>) target(%arg9 : memref<79x128xi32, #tpu.memory_space<vmem>>) target_semaphore(%run_scoped3A : memref<!tpu.dma_semaphore, #tpu.memory_space<semaphore_mem>>)
      %dma_wait3A = arith.constant 0 : i32
      %dma_wait3A_22 = arith.constant 0 : i32
      %dma_wait3A_23 = tpu.memref_slice %arg4[%add3A, %dma_wait3A, %dma_wait3A_22] : memref<32x79x128xi32, #tpu.memory_space<hbm>> -> memref<1x79x128xi32, #tpu.memory_space<hbm>>
      %dma_wait3A_24 = tpu.memref_squeeze %dma_wait3A_23 : memref<1x79x128xi32, #tpu.memory_space<hbm>> -> memref<79x128xi32, #tpu.memory_space<hbm>>
      %dma_wait3A_25 = arith.constant 0 : i32
      %dma_wait3A_26 = arith.constant 0 : i32
      %dma_wait3A_27 = tpu.memref_slice %arg4[%add3A, %dma_wait3A_25, %dma_wait3A_26] : memref<32x79x128xi32, #tpu.memory_space<hbm>> -> memref<1x79x128xi32, #tpu.memory_space<hbm>>
      %dma_wait3A_28 = tpu.memref_squeeze %dma_wait3A_27 : memref<1x79x128xi32, #tpu.memory_space<hbm>> -> memref<79x128xi32, #tpu.memory_space<hbm>>
      tpu.wait_dma2 semaphore(%run_scoped3A : memref<!tpu.dma_semaphore, #tpu.memory_space<semaphore_mem>>) src(%dma_wait3A_28 : memref<79x128xi32, #tpu.memory_space<hbm>>) dst(%arg9 : memref<79x128xi32, #tpu.memory_space<vmem>>)
      tpu.yield
    }) : () -> ()
    %mul3A_3 = arith.constant 10112 : i32
    %mul3A_4 = arith.muli %add3A, %mul3A_3 : i32
    "tpu.region"() ({
      %run_scoped3A = tpu.sem_alloc : memref<!tpu.dma_semaphore, #tpu.memory_space<semaphore_mem>>
      %dma_start3A = arith.constant 0 : i32
      %dma_start3A_15 = tpu.memref_slice %arg10[%dma_start3A] : memref<10128xf32, #tpu.memory_space<vmem>> -> memref<10112xf32, #tpu.memory_space<vmem>>
      %dma_start3A_16 = tpu.memref_slice %arg5[%mul3A_4] : memref<323584xf32, #tpu.memory_space<hbm>> -> memref<10112xf32, #tpu.memory_space<hbm>>
      %dma_start3A_17 = arith.constant 0 : i32
      %dma_start3A_18 = tpu.memref_slice %arg10[%dma_start3A_17] : memref<10128xf32, #tpu.memory_space<vmem>> -> memref<10112xf32, #tpu.memory_space<vmem>>
      %dma_start3A_19 = tpu.memref_slice %arg5[%mul3A_4] : memref<323584xf32, #tpu.memory_space<hbm>> -> memref<10112xf32, #tpu.memory_space<hbm>>
      tpu.enqueue_dma source(%dma_start3A_19 : memref<10112xf32, #tpu.memory_space<hbm>>) target(%dma_start3A_18 : memref<10112xf32, #tpu.memory_space<vmem>>) target_semaphore(%run_scoped3A : memref<!tpu.dma_semaphore, #tpu.memory_space<semaphore_mem>>)
      %dma_wait3A = arith.constant 0 : i32
      %dma_wait3A_20 = tpu.memref_slice %arg10[%dma_wait3A] : memref<10128xf32, #tpu.memory_space<vmem>> -> memref<10112xf32, #tpu.memory_space<vmem>>
      %dma_wait3A_21 = tpu.memref_slice %arg5[%mul3A_4] : memref<323584xf32, #tpu.memory_space<hbm>> -> memref<10112xf32, #tpu.memory_space<hbm>>
      %dma_wait3A_22 = arith.constant 0 : i32
      %dma_wait3A_23 = tpu.memref_slice %arg10[%dma_wait3A_22] : memref<10128xf32, #tpu.memory_space<vmem>> -> memref<10112xf32, #tpu.memory_space<vmem>>
      %dma_wait3A_24 = tpu.memref_slice %arg5[%mul3A_4] : memref<323584xf32, #tpu.memory_space<hbm>> -> memref<10112xf32, #tpu.memory_space<hbm>>
      tpu.wait_dma2 semaphore(%run_scoped3A : memref<!tpu.dma_semaphore, #tpu.memory_space<semaphore_mem>>) src(%dma_wait3A_24 : memref<10112xf32, #tpu.memory_space<hbm>>) dst(%dma_wait3A_23 : memref<10112xf32, #tpu.memory_space<vmem>>)
      tpu.yield
    }) : () -> ()
    %barrier3A = arith.constant 0 : index
    tpu.barrier barrier_id(%barrier3A)
    %scan3A = arith.constant 0 : i32
    %scan3A_5 = arith.constant 0 : i32
    %scan3A_6 = arith.constant 79 : i32
    %scan3A_7 = arith.addi %scan3A_5, %scan3A_6 : i32
    %scan3A_8 = arith.constant 1 : i32
    scf.for %scan3A_15 = %scan3A_5 to %scan3A_7 step %scan3A_8  : i32 {
      %dma_start3A = arith.constant 0 : i32
      %dma_start3A_16 = tpu.memref_slice %arg8[%scan3A_15, %dma_start3A] : memref<79x128xi32, #tpu.memory_space<vmem>> -> memref<1x128xi32, #tpu.memory_space<vmem>>
      %dma_start3A_17 = tpu.memref_squeeze %dma_start3A_16 : memref<1x128xi32, #tpu.memory_space<vmem>> -> memref<128xi32, #tpu.memory_space<vmem>>
      %dma_start3A_18 = arith.constant 0 : i32
      %dma_start3A_19 = arith.constant 0 : i32
      %dma_start3A_20 = tpu.memref_slice %arg2[%dma_start3A_18, %dma_start3A_19] : memref<10000x128xf32, #tpu.memory_space<hbm>> -> memref<10000x128xf32, #tpu.memory_space<hbm>>
      tpu.enqueue_indirect_dma source(%dma_start3A_20 : memref<10000x128xf32, #tpu.memory_space<hbm>>) target(%arg11 : memref<128x128xf32, #tpu.memory_space<vmem>>) offsets(%dma_start3A_17 : memref<128xi32, #tpu.memory_space<vmem>>) semaphore(%arg13 : memref<!tpu.dma_semaphore, #tpu.memory_space<semaphore_mem>>)
      %dma_wait3A = arith.constant 0 : i32
      %dma_wait3A_21 = tpu.memref_slice %arg8[%scan3A_15, %dma_wait3A] : memref<79x128xi32, #tpu.memory_space<vmem>> -> memref<1x128xi32, #tpu.memory_space<vmem>>
      %dma_wait3A_22 = tpu.memref_squeeze %dma_wait3A_21 : memref<1x128xi32, #tpu.memory_space<vmem>> -> memref<128xi32, #tpu.memory_space<vmem>>
      %dma_wait3A_23 = arith.constant 0 : i32
      %dma_wait3A_24 = arith.constant 0 : i32
      %dma_wait3A_25 = tpu.memref_slice %arg2[%dma_wait3A_23, %dma_wait3A_24] : memref<10000x128xf32, #tpu.memory_space<hbm>> -> memref<10000x128xf32, #tpu.memory_space<hbm>>
      tpu.wait_indirect_dma semaphore(%arg13 : memref<!tpu.dma_semaphore, #tpu.memory_space<semaphore_mem>>) src(%dma_wait3A_25 : memref<10000x128xf32, #tpu.memory_space<hbm>>) dst(%arg11 : memref<128x128xf32, #tpu.memory_space<vmem>>)
      %scan3A_26 = arith.constant 0 : i32
      %scan3A_27 = arith.constant 0 : i32
      %scan3A_28 = arith.constant 128 : i32
      %scan3A_29 = arith.addi %scan3A_27, %scan3A_28 : i32
      %scan3A_30 = arith.constant 2 : i32
      scf.for %scan3A_32 = %scan3A_27 to %scan3A_29 step %scan3A_30  : i32 {
        %mul3A_33 = arith.constant 128 : i32
        %mul3A_34 = arith.muli %scan3A_15, %mul3A_33 : i32
        %add3A_35 = arith.addi %mul3A_34, %scan3A_32 : i32
        %get3A = arith.index_cast %add3A_35 : i32 to index
        %get3A_36 = tpu.vector_load %arg10[%get3A] {strides = array<i32>} : memref<10128xf32, #tpu.memory_space<vmem>>, vector<16xf32>,
        %get3A_37 = vector.shape_cast %get3A_36 : vector<16xf32> to vector<16xf32>
        %slice3A = vector.extract_strided_slice %get3A_37 {offsets = [0], sizes = [1], strides = [1]} : vector<16xf32> to vector<1xf32>
        %squeeze3A = vector.extract %slice3A[0] : f32 from vector<1xf32>
        %get3A_38 = arith.index_cast %scan3A_32 : i32 to index
        %get3A_39 = arith.constant 0 : index
        %get3A_40 = tpu.vector_load %arg11[%get3A_38, %get3A_39] {strides = array<i32>} : memref<128x128xf32, #tpu.memory_space<vmem>>, vector<1x16xf32>,
        %get3A_41 = vector.shape_cast %get3A_40 : vector<1x16xf32> to vector<16xf32>
        %mul3A_42 = vector.broadcast %squeeze3A : f32 to vector<16xf32>
        %mul3A_43 = arith.mulf %get3A_41, %mul3A_42 : vector<16xf32>
        %swap3A = arith.index_cast %scan3A_32 : i32 to index
        %swap3A_44 = arith.constant 0 : index
        %swap3A_45 = tpu.vector_load %arg11[%swap3A, %swap3A_44] {strides = array<i32>} : memref<128x128xf32, #tpu.memory_space<vmem>>, vector<1x16xf32>,
        %swap3A_46 = vector.shape_cast %swap3A_45 : vector<1x16xf32> to vector<16xf32>
        %swap3A_47 = vector.shape_cast %mul3A_43 : vector<16xf32> to vector<1x16xf32>
        tpu.vector_store %arg11[%swap3A, %swap3A_44], %swap3A_47 {strides = array<i32>} : memref<128x128xf32, #tpu.memory_space<vmem>>, vector<1x16xf32>,
        %get3A_48 = arith.index_cast %scan3A_32 : i32 to index
        %get3A_49 = arith.constant 16 : index
        %get3A_50 = tpu.vector_load %arg11[%get3A_48, %get3A_49] {strides = array<i32>} : memref<128x128xf32, #tpu.memory_space<vmem>>, vector<1x16xf32>,
        %get3A_51 = vector.shape_cast %get3A_50 : vector<1x16xf32> to vector<16xf32>
        %mul3A_52 = vector.broadcast %squeeze3A : f32 to vector<16xf32>
        %mul3A_53 = arith.mulf %get3A_51, %mul3A_52 : vector<16xf32>
        %swap3A_54 = arith.index_cast %scan3A_32 : i32 to index
        %swap3A_55 = arith.constant 16 : index
        %swap3A_56 = tpu.vector_load %arg11[%swap3A_54, %swap3A_55] {strides = array<i32>} : memref<128x128xf32, #tpu.memory_space<vmem>>, vector<1x16xf32>,
        %swap3A_57 = vector.shape_cast %swap3A_56 : vector<1x16xf32> to vector<16xf32>
        %swap3A_58 = vector.shape_cast %mul3A_53 : vector<16xf32> to vector<1x16xf32>
        tpu.vector_store %arg11[%swap3A_54, %swap3A_55], %swap3A_58 {strides = array<i32>} : memref<128x128xf32, #tpu.memory_space<vmem>>, vector<1x16xf32>,
        %get3A_59 = arith.index_cast %scan3A_32 : i32 to index
        %get3A_60 = arith.constant 32 : index
        %get3A_61 = tpu.vector_load %arg11[%get3A_59, %get3A_60] {strides = array<i32>} : memref<128x128xf32, #tpu.memory_space<vmem>>, vector<1x16xf32>,
        %get3A_62 = vector.shape_cast %get3A_61 : vector<1x16xf32> to vector<16xf32>
        %mul3A_63 = vector.broadcast %squeeze3A : f32 to vector<16xf32>
        %mul3A_64 = arith.mulf %get3A_62, %mul3A_63 : vector<16xf32>
        %swap3A_65 = arith.index_cast %scan3A_32 : i32 to index
        %swap3A_66 = arith.constant 32 : index
        %swap3A_67 = tpu.vector_load %arg11[%swap3A_65, %swap3A_66] {strides = array<i32>} : memref<128x128xf32, #tpu.memory_space<vmem>>, vector<1x16xf32>,
        %swap3A_68 = vector.shape_cast %swap3A_67 : vector<1x16xf32> to vector<16xf32>
        %swap3A_69 = vector.shape_cast %mul3A_64 : vector<16xf32> to vector<1x16xf32>
        tpu.vector_store %arg11[%swap3A_65, %swap3A_66], %swap3A_69 {strides = array<i32>} : memref<128x128xf32, #tpu.memory_space<vmem>>, vector<1x16xf32>,
        %get3A_70 = arith.index_cast %scan3A_32 : i32 to index
        %get3A_71 = arith.constant 48 : index
        %get3A_72 = tpu.vector_load %arg11[%get3A_70, %get3A_71] {strides = array<i32>} : memref<128x128xf32, #tpu.memory_space<vmem>>, vector<1x16xf32>,
        %get3A_73 = vector.shape_cast %get3A_72 : vector<1x16xf32> to vector<16xf32>
        %mul3A_74 = vector.broadcast %squeeze3A : f32 to vector<16xf32>
        %mul3A_75 = arith.mulf %get3A_73, %mul3A_74 : vector<16xf32>
        %swap3A_76 = arith.index_cast %scan3A_32 : i32 to index
        %swap3A_77 = arith.constant 48 : index
        %swap3A_78 = tpu.vector_load %arg11[%swap3A_76, %swap3A_77] {strides = array<i32>} : memref<128x128xf32, #tpu.memory_space<vmem>>, vector<1x16xf32>,
        %swap3A_79 = vector.shape_cast %swap3A_78 : vector<1x16xf32> to vector<16xf32>
        %swap3A_80 = vector.shape_cast %mul3A_75 : vector<16xf32> to vector<1x16xf32>
        tpu.vector_store %arg11[%swap3A_76, %swap3A_77], %swap3A_80 {strides = array<i32>} : memref<128x128xf32, #tpu.memory_space<vmem>>, vector<1x16xf32>,
        %get3A_81 = arith.index_cast %scan3A_32 : i32 to index
        %get3A_82 = arith.constant 64 : index
        %get3A_83 = tpu.vector_load %arg11[%get3A_81, %get3A_82] {strides = array<i32>} : memref<128x128xf32, #tpu.memory_space<vmem>>, vector<1x16xf32>,
        %get3A_84 = vector.shape_cast %get3A_83 : vector<1x16xf32> to vector<16xf32>
        %mul3A_85 = vector.broadcast %squeeze3A : f32 to vector<16xf32>
        %mul3A_86 = arith.mulf %get3A_84, %mul3A_85 : vector<16xf32>
        %swap3A_87 = arith.index_cast %scan3A_32 : i32 to index
        %swap3A_88 = arith.constant 64 : index
        %swap3A_89 = tpu.vector_load %arg11[%swap3A_87, %swap3A_88] {strides = array<i32>} : memref<128x128xf32, #tpu.memory_space<vmem>>, vector<1x16xf32>,
        %swap3A_90 = vector.shape_cast %swap3A_89 : vector<1x16xf32> to vector<16xf32>
        %swap3A_91 = vector.shape_cast %mul3A_86 : vector<16xf32> to vector<1x16xf32>
        tpu.vector_store %arg11[%swap3A_87, %swap3A_88], %swap3A_91 {strides = array<i32>} : memref<128x128xf32, #tpu.memory_space<vmem>>, vector<1x16xf32>,
        %get3A_92 = arith.index_cast %scan3A_32 : i32 to index
        %get3A_93 = arith.constant 80 : index
        %get3A_94 = tpu.vector_load %arg11[%get3A_92, %get3A_93] {strides = array<i32>} : memref<128x128xf32, #tpu.memory_space<vmem>>, vector<1x16xf32>,
        %get3A_95 = vector.shape_cast %get3A_94 : vector<1x16xf32> to vector<16xf32>
        %mul3A_96 = vector.broadcast %squeeze3A : f32 to vector<16xf32>
        %mul3A_97 = arith.mulf %get3A_95, %mul3A_96 : vector<16xf32>
        %swap3A_98 = arith.index_cast %scan3A_32 : i32 to index
        %swap3A_99 = arith.constant 80 : index
        %swap3A_100 = tpu.vector_load %arg11[%swap3A_98, %swap3A_99] {strides = array<i32>} : memref<128x128xf32, #tpu.memory_space<vmem>>, vector<1x16xf32>,
        %swap3A_101 = vector.shape_cast %swap3A_100 : vector<1x16xf32> to vector<16xf32>
        %swap3A_102 = vector.shape_cast %mul3A_97 : vector<16xf32> to vector<1x16xf32>
        tpu.vector_store %arg11[%swap3A_98, %swap3A_99], %swap3A_102 {strides = array<i32>} : memref<128x128xf32, #tpu.memory_space<vmem>>, vector<1x16xf32>,
        %get3A_103 = arith.index_cast %scan3A_32 : i32 to index
        %get3A_104 = arith.constant 96 : index
        %get3A_105 = tpu.vector_load %arg11[%get3A_103, %get3A_104] {strides = array<i32>} : memref<128x128xf32, #tpu.memory_space<vmem>>, vector<1x16xf32>,
        %get3A_106 = vector.shape_cast %get3A_105 : vector<1x16xf32> to vector<16xf32>
        %mul3A_107 = vector.broadcast %squeeze3A : f32 to vector<16xf32>
        %mul3A_108 = arith.mulf %get3A_106, %mul3A_107 : vector<16xf32>
        %swap3A_109 = arith.index_cast %scan3A_32 : i32 to index
        %swap3A_110 = arith.constant 96 : index
        %swap3A_111 = tpu.vector_load %arg11[%swap3A_109, %swap3A_110] {strides = array<i32>} : memref<128x128xf32, #tpu.memory_space<vmem>>, vector<1x16xf32>,
        %swap3A_112 = vector.shape_cast %swap3A_111 : vector<1x16xf32> to vector<16xf32>
        %swap3A_113 = vector.shape_cast %mul3A_108 : vector<16xf32> to vector<1x16xf32>
        tpu.vector_store %arg11[%swap3A_109, %swap3A_110], %swap3A_113 {strides = array<i32>} : memref<128x128xf32, #tpu.memory_space<vmem>>, vector<1x16xf32>,
        %get3A_114 = arith.index_cast %scan3A_32 : i32 to index
        %get3A_115 = arith.constant 112 : index
        %get3A_116 = tpu.vector_load %arg11[%get3A_114, %get3A_115] {strides = array<i32>} : memref<128x128xf32, #tpu.memory_space<vmem>>, vector<1x16xf32>,
        %get3A_117 = vector.shape_cast %get3A_116 : vector<1x16xf32> to vector<16xf32>
        %mul3A_118 = vector.broadcast %squeeze3A : f32 to vector<16xf32>
        %mul3A_119 = arith.mulf %get3A_117, %mul3A_118 : vector<16xf32>
        %swap3A_120 = arith.index_cast %scan3A_32 : i32 to index
        %swap3A_121 = arith.constant 112 : index
        %swap3A_122 = tpu.vector_load %arg11[%swap3A_120, %swap3A_121] {strides = array<i32>} : memref<128x128xf32, #tpu.memory_space<vmem>>, vector<1x16xf32>,
        %swap3A_123 = vector.shape_cast %swap3A_122 : vector<1x16xf32> to vector<16xf32>
        %swap3A_124 = vector.shape_cast %mul3A_119 : vector<16xf32> to vector<1x16xf32>
        tpu.vector_store %arg11[%swap3A_120, %swap3A_121], %swap3A_124 {strides = array<i32>} : memref<128x128xf32, #tpu.memory_space<vmem>>, vector<1x16xf32>,
        %scan3A_125 = arith.constant 1 : i32
        %scan3A_126 = arith.addi %scan3A_32, %scan3A_125 : i32
        %mul3A_127 = arith.constant 128 : i32
        %mul3A_128 = arith.muli %scan3A_15, %mul3A_127 : i32
        %add3A_129 = arith.addi %mul3A_128, %scan3A_126 : i32
        %get3A_130 = arith.index_cast %add3A_129 : i32 to index
        %get3A_131 = tpu.vector_load %arg10[%get3A_130] {strides = array<i32>} : memref<10128xf32, #tpu.memory_space<vmem>>, vector<16xf32>,
        %get3A_132 = vector.shape_cast %get3A_131 : vector<16xf32> to vector<16xf32>
        %slice3A_133 = vector.extract_strided_slice %get3A_132 {offsets = [0], sizes = [1], strides = [1]} : vector<16xf32> to vector<1xf32>
        %squeeze3A_134 = vector.extract %slice3A_133[0] : f32 from vector<1xf32>
        %get3A_135 = arith.index_cast %scan3A_126 : i32 to index
        %get3A_136 = arith.constant 0 : index
        %get3A_137 = tpu.vector_load %arg11[%get3A_135, %get3A_136] {strides = array<i32>} : memref<128x128xf32, #tpu.memory_space<vmem>>, vector<1x16xf32>,
        %get3A_138 = vector.shape_cast %get3A_137 : vector<1x16xf32> to vector<16xf32>
        %mul3A_139 = vector.broadcast %squeeze3A_134 : f32 to vector<16xf32>
        %mul3A_140 = arith.mulf %get3A_138, %mul3A_139 : vector<16xf32>
        %swap3A_141 = arith.index_cast %scan3A_126 : i32 to index
        %swap3A_142 = arith.constant 0 : index
        %swap3A_143 = tpu.vector_load %arg11[%swap3A_141, %swap3A_142] {strides = array<i32>} : memref<128x128xf32, #tpu.memory_space<vmem>>, vector<1x16xf32>,
        %swap3A_144 = vector.shape_cast %swap3A_143 : vector<1x16xf32> to vector<16xf32>
        %swap3A_145 = vector.shape_cast %mul3A_140 : vector<16xf32> to vector<1x16xf32>
        tpu.vector_store %arg11[%swap3A_141, %swap3A_142], %swap3A_145 {strides = array<i32>} : memref<128x128xf32, #tpu.memory_space<vmem>>, vector<1x16xf32>,
        %get3A_146 = arith.index_cast %scan3A_126 : i32 to index
        %get3A_147 = arith.constant 16 : index
        %get3A_148 = tpu.vector_load %arg11[%get3A_146, %get3A_147] {strides = array<i32>} : memref<128x128xf32, #tpu.memory_space<vmem>>, vector<1x16xf32>,
        %get3A_149 = vector.shape_cast %get3A_148 : vector<1x16xf32> to vector<16xf32>
        %mul3A_150 = vector.broadcast %squeeze3A_134 : f32 to vector<16xf32>
        %mul3A_151 = arith.mulf %get3A_149, %mul3A_150 : vector<16xf32>
        %swap3A_152 = arith.index_cast %scan3A_126 : i32 to index
        %swap3A_153 = arith.constant 16 : index
        %swap3A_154 = tpu.vector_load %arg11[%swap3A_152, %swap3A_153] {strides = array<i32>} : memref<128x128xf32, #tpu.memory_space<vmem>>, vector<1x16xf32>,
        %swap3A_155 = vector.shape_cast %swap3A_154 : vector<1x16xf32> to vector<16xf32>
        %swap3A_156 = vector.shape_cast %mul3A_151 : vector<16xf32> to vector<1x16xf32>
        tpu.vector_store %arg11[%swap3A_152, %swap3A_153], %swap3A_156 {strides = array<i32>} : memref<128x128xf32, #tpu.memory_space<vmem>>, vector<1x16xf32>,
        %get3A_157 = arith.index_cast %scan3A_126 : i32 to index
        %get3A_158 = arith.constant 32 : index
        %get3A_159 = tpu.vector_load %arg11[%get3A_157, %get3A_158] {strides = array<i32>} : memref<128x128xf32, #tpu.memory_space<vmem>>, vector<1x16xf32>,
        %get3A_160 = vector.shape_cast %get3A_159 : vector<1x16xf32> to vector<16xf32>
        %mul3A_161 = vector.broadcast %squeeze3A_134 : f32 to vector<16xf32>
        %mul3A_162 = arith.mulf %get3A_160, %mul3A_161 : vector<16xf32>
        %swap3A_163 = arith.index_cast %scan3A_126 : i32 to index
        %swap3A_164 = arith.constant 32 : index
        %swap3A_165 = tpu.vector_load %arg11[%swap3A_163, %swap3A_164] {strides = array<i32>} : memref<128x128xf32, #tpu.memory_space<vmem>>, vector<1x16xf32>,
        %swap3A_166 = vector.shape_cast %swap3A_165 : vector<1x16xf32> to vector<16xf32>
        %swap3A_167 = vector.shape_cast %mul3A_162 : vector<16xf32> to vector<1x16xf32>
        tpu.vector_store %arg11[%swap3A_163, %swap3A_164], %swap3A_167 {strides = array<i32>} : memref<128x128xf32, #tpu.memory_space<vmem>>, vector<1x16xf32>,
        %get3A_168 = arith.index_cast %scan3A_126 : i32 to index
        %get3A_169 = arith.constant 48 : index
        %get3A_170 = tpu.vector_load %arg11[%get3A_168, %get3A_169] {strides = array<i32>} : memref<128x128xf32, #tpu.memory_space<vmem>>, vector<1x16xf32>,
        %get3A_171 = vector.shape_cast %get3A_170 : vector<1x16xf32> to vector<16xf32>
        %mul3A_172 = vector.broadcast %squeeze3A_134 : f32 to vector<16xf32>
        %mul3A_173 = arith.mulf %get3A_171, %mul3A_172 : vector<16xf32>
        %swap3A_174 = arith.index_cast %scan3A_126 : i32 to index
        %swap3A_175 = arith.constant 48 : index
        %swap3A_176 = tpu.vector_load %arg11[%swap3A_174, %swap3A_175] {strides = array<i32>} : memref<128x128xf32, #tpu.memory_space<vmem>>, vector<1x16xf32>,
        %swap3A_177 = vector.shape_cast %swap3A_176 : vector<1x16xf32> to vector<16xf32>
        %swap3A_178 = vector.shape_cast %mul3A_173 : vector<16xf32> to vector<1x16xf32>
        tpu.vector_store %arg11[%swap3A_174, %swap3A_175], %swap3A_178 {strides = array<i32>} : memref<128x128xf32, #tpu.memory_space<vmem>>, vector<1x16xf32>,
        %get3A_179 = arith.index_cast %scan3A_126 : i32 to index
        %get3A_180 = arith.constant 64 : index
        %get3A_181 = tpu.vector_load %arg11[%get3A_179, %get3A_180] {strides = array<i32>} : memref<128x128xf32, #tpu.memory_space<vmem>>, vector<1x16xf32>,
        %get3A_182 = vector.shape_cast %get3A_181 : vector<1x16xf32> to vector<16xf32>
        %mul3A_183 = vector.broadcast %squeeze3A_134 : f32 to vector<16xf32>
        %mul3A_184 = arith.mulf %get3A_182, %mul3A_183 : vector<16xf32>
        %swap3A_185 = arith.index_cast %scan3A_126 : i32 to index
        %swap3A_186 = arith.constant 64 : index
        %swap3A_187 = tpu.vector_load %arg11[%swap3A_185, %swap3A_186] {strides = array<i32>} : memref<128x128xf32, #tpu.memory_space<vmem>>, vector<1x16xf32>,
        %swap3A_188 = vector.shape_cast %swap3A_187 : vector<1x16xf32> to vector<16xf32>
        %swap3A_189 = vector.shape_cast %mul3A_184 : vector<16xf32> to vector<1x16xf32>
        tpu.vector_store %arg11[%swap3A_185, %swap3A_186], %swap3A_189 {strides = array<i32>} : memref<128x128xf32, #tpu.memory_space<vmem>>, vector<1x16xf32>,
        %get3A_190 = arith.index_cast %scan3A_126 : i32 to index
        %get3A_191 = arith.constant 80 : index
        %get3A_192 = tpu.vector_load %arg11[%get3A_190, %get3A_191] {strides = array<i32>} : memref<128x128xf32, #tpu.memory_space<vmem>>, vector<1x16xf32>,
        %get3A_193 = vector.shape_cast %get3A_192 : vector<1x16xf32> to vector<16xf32>
        %mul3A_194 = vector.broadcast %squeeze3A_134 : f32 to vector<16xf32>
        %mul3A_195 = arith.mulf %get3A_193, %mul3A_194 : vector<16xf32>
        %swap3A_196 = arith.index_cast %scan3A_126 : i32 to index
        %swap3A_197 = arith.constant 80 : index
        %swap3A_198 = tpu.vector_load %arg11[%swap3A_196, %swap3A_197] {strides = array<i32>} : memref<128x128xf32, #tpu.memory_space<vmem>>, vector<1x16xf32>,
        %swap3A_199 = vector.shape_cast %swap3A_198 : vector<1x16xf32> to vector<16xf32>
        %swap3A_200 = vector.shape_cast %mul3A_195 : vector<16xf32> to vector<1x16xf32>
        tpu.vector_store %arg11[%swap3A_196, %swap3A_197], %swap3A_200 {strides = array<i32>} : memref<128x128xf32, #tpu.memory_space<vmem>>, vector<1x16xf32>,
        %get3A_201 = arith.index_cast %scan3A_126 : i32 to index
        %get3A_202 = arith.constant 96 : index
        %get3A_203 = tpu.vector_load %arg11[%get3A_201, %get3A_202] {strides = array<i32>} : memref<128x128xf32, #tpu.memory_space<vmem>>, vector<1x16xf32>,
        %get3A_204 = vector.shape_cast %get3A_203 : vector<1x16xf32> to vector<16xf32>
        %mul3A_205 = vector.broadcast %squeeze3A_134 : f32 to vector<16xf32>
        %mul3A_206 = arith.mulf %get3A_204, %mul3A_205 : vector<16xf32>
        %swap3A_207 = arith.index_cast %scan3A_126 : i32 to index
        %swap3A_208 = arith.constant 96 : index
        %swap3A_209 = tpu.vector_load %arg11[%swap3A_207, %swap3A_208] {strides = array<i32>} : memref<128x128xf32, #tpu.memory_space<vmem>>, vector<1x16xf32>,
        %swap3A_210 = vector.shape_cast %swap3A_209 : vector<1x16xf32> to vector<16xf32>
        %swap3A_211 = vector.shape_cast %mul3A_206 : vector<16xf32> to vector<1x16xf32>
        tpu.vector_store %arg11[%swap3A_207, %swap3A_208], %swap3A_211 {strides = array<i32>} : memref<128x128xf32, #tpu.memory_space<vmem>>, vector<1x16xf32>,
        %get3A_212 = arith.index_cast %scan3A_126 : i32 to index
        %get3A_213 = arith.constant 112 : index
        %get3A_214 = tpu.vector_load %arg11[%get3A_212, %get3A_213] {strides = array<i32>} : memref<128x128xf32, #tpu.memory_space<vmem>>, vector<1x16xf32>,
        %get3A_215 = vector.shape_cast %get3A_214 : vector<1x16xf32> to vector<16xf32>
        %mul3A_216 = vector.broadcast %squeeze3A_134 : f32 to vector<16xf32>
        %mul3A_217 = arith.mulf %get3A_215, %mul3A_216 : vector<16xf32>
        %swap3A_218 = arith.index_cast %scan3A_126 : i32 to index
        %swap3A_219 = arith.constant 112 : index
        %swap3A_220 = tpu.vector_load %arg11[%swap3A_218, %swap3A_219] {strides = array<i32>} : memref<128x128xf32, #tpu.memory_space<vmem>>, vector<1x16xf32>,
        %swap3A_221 = vector.shape_cast %swap3A_220 : vector<1x16xf32> to vector<16xf32>
        %swap3A_222 = vector.shape_cast %mul3A_217 : vector<16xf32> to vector<1x16xf32>
        tpu.vector_store %arg11[%swap3A_218, %swap3A_219], %swap3A_222 {strides = array<i32>} : memref<128x128xf32, #tpu.memory_space<vmem>>, vector<1x16xf32>,
      }
      %scan3A_31 = arith.constant 128 : i32
      "tpu.region"() ({
        %run_scoped3A = tpu.sem_alloc : memref<!tpu.dma_semaphore, #tpu.memory_space<semaphore_mem>>
        %dma_start3A_32 = arith.constant 0 : i32
        %dma_start3A_33 = tpu.memref_slice %arg9[%scan3A_15, %dma_start3A_32] : memref<79x128xi32, #tpu.memory_space<vmem>> -> memref<1x128xi32, #tpu.memory_space<vmem>>
        %dma_start3A_34 = tpu.memref_squeeze %dma_start3A_33 : memref<1x128xi32, #tpu.memory_space<vmem>> -> memref<128xi32, #tpu.memory_space<vmem>>
        %dma_start3A_35 = arith.constant 0 : i32
        %dma_start3A_36 = arith.constant 0 : i32
        %dma_start3A_37 = tpu.memref_slice %arg12[%dma_start3A_35, %dma_start3A_36] : memref<10240x128xf32, #tpu.memory_space<vmem_shared>> -> memref<10240x128xf32, #tpu.memory_space<vmem_shared>>
        tpu.enqueue_indirect_dma source(%arg11 : memref<128x128xf32, #tpu.memory_space<vmem>>) target(%dma_start3A_37 : memref<10240x128xf32, #tpu.memory_space<vmem_shared>>) offsets(%dma_start3A_34 : memref<128xi32, #tpu.memory_space<vmem>>) semaphore(%run_scoped3A : memref<!tpu.dma_semaphore, #tpu.memory_space<semaphore_mem>>) {add = true}
        %dma_wait3A_38 = arith.constant 0 : i32
        %dma_wait3A_39 = tpu.memref_slice %arg9[%scan3A_15, %dma_wait3A_38] : memref<79x128xi32, #tpu.memory_space<vmem>> -> memref<1x128xi32, #tpu.memory_space<vmem>>
        %dma_wait3A_40 = tpu.memref_squeeze %dma_wait3A_39 : memref<1x128xi32, #tpu.memory_space<vmem>> -> memref<128xi32, #tpu.memory_space<vmem>>
        %dma_wait3A_41 = arith.constant 0 : i32
        %dma_wait3A_42 = arith.constant 0 : i32
        %dma_wait3A_43 = tpu.memref_slice %arg12[%dma_wait3A_41, %dma_wait3A_42] : memref<10240x128xf32, #tpu.memory_space<vmem_shared>> -> memref<10240x128xf32, #tpu.memory_space<vmem_shared>>
        tpu.wait_indirect_dma semaphore(%run_scoped3A : memref<!tpu.dma_semaphore, #tpu.memory_space<semaphore_mem>>) src(%arg11 : memref<128x128xf32, #tpu.memory_space<vmem>>) dst(%dma_wait3A_43 : memref<10240x128xf32, #tpu.memory_space<vmem_shared>>)
        tpu.yield
      }) : () -> ()
    }
    %scan3A_9 = arith.constant 79 : i32
    %barrier3A_10 = arith.constant 0 : index
    tpu.barrier barrier_id(%barrier3A_10)
    %mul3A_11 = arith.constant 640 : i32
    %mul3A_12 = arith.muli %arg1, %mul3A_11 : i32
    %mul3A_13 = arith.constant 640 : i32
    %mul3A_14 = arith.muli %arg1, %mul3A_13 : i32
    "tpu.region"() ({
      %run_scoped3A = tpu.sem_alloc : memref<!tpu.dma_semaphore, #tpu.memory_space<semaphore_mem>>
      %dma_start3A = arith.constant 0 : i32
      %dma_start3A_15 = tpu.memref_slice %arg7[%arg0, %mul3A_14, %dma_start3A] : memref<2x10240x128xf32, #tpu.memory_space<hbm>> -> memref<1x640x128xf32, #tpu.memory_space<hbm>>
      %dma_start3A_16 = tpu.memref_squeeze %dma_start3A_15 : memref<1x640x128xf32, #tpu.memory_space<hbm>> -> memref<640x128xf32, #tpu.memory_space<hbm>>
      %dma_start3A_17 = arith.constant 0 : i32
      %dma_start3A_18 = tpu.memref_slice %arg12[%mul3A_12, %dma_start3A_17] : memref<10240x128xf32, #tpu.memory_space<vmem_shared>> -> memref<640x128xf32, #tpu.memory_space<vmem_shared>>
      tpu.enqueue_dma source(%dma_start3A_18 : memref<640x128xf32, #tpu.memory_space<vmem_shared>>) target(%dma_start3A_16 : memref<640x128xf32, #tpu.memory_space<hbm>>) target_semaphore(%run_scoped3A : memref<!tpu.dma_semaphore, #tpu.memory_space<semaphore_mem>>)
      %dma_wait3A = arith.constant 0 : i32
      %dma_wait3A_19 = tpu.memref_slice %arg7[%arg0, %mul3A_14, %dma_wait3A] : memref<2x10240x128xf32, #tpu.memory_space<hbm>> -> memref<1x640x128xf32, #tpu.memory_space<hbm>>
      %dma_wait3A_20 = tpu.memref_squeeze %dma_wait3A_19 : memref<1x640x128xf32, #tpu.memory_space<hbm>> -> memref<640x128xf32, #tpu.memory_space<hbm>>
      %dma_wait3A_21 = arith.constant 0 : i32
      %dma_wait3A_22 = tpu.memref_slice %arg12[%mul3A_12, %dma_wait3A_21] : memref<10240x128xf32, #tpu.memory_space<vmem_shared>> -> memref<640x128xf32, #tpu.memory_space<vmem_shared>>
      tpu.wait_dma2 semaphore(%run_scoped3A : memref<!tpu.dma_semaphore, #tpu.memory_space<semaphore_mem>>) src(%dma_wait3A_22 : memref<640x128xf32, #tpu.memory_space<vmem_shared>>) dst(%dma_wait3A_20 : memref<640x128xf32, #tpu.memory_space<hbm>>)
      tpu.yield
    }) : () -> ()
    return
  }
}

module attributes {stable_mosaic.version = 14 : i64} {
  func.func @_dense_body(%arg0: i32, %arg1: memref<1000x128xf32, #tpu.memory_space<vmem>>, %arg2: memref<2x1000x128xf32, #tpu.memory_space<vmem>>, %arg3: memref<128x128xf32, #tpu.memory_space<vmem>>, %arg4: memref<1x128xf32, #tpu.memory_space<vmem>>, %arg5: memref<1000x128xf32, #tpu.memory_space<vmem>>) attributes {dimension_semantics = [#tpu.dimension_semantics<arbitrary>], iteration_bounds = array<i64: 10>, scalar_prefetch = 0 : i64, scratch_operands = 0 : i64, tpu.core_type = #tpu.core_type<tc>, window_params = [{transform_indices = @transform_0, window_bounds = array<i64: 1000, 128>}, {transform_indices = @transform_1, window_bounds = array<i64: 2, 1000, 128>}, {pipeline_mode = #tpu.pipeline_mode<synchronous>, transform_indices = @transform_2, window_bounds = array<i64: 128, 128>}, {pipeline_mode = #tpu.pipeline_mode<synchronous>, transform_indices = @transform_3, window_bounds = array<i64: 1, 128>}, {transform_indices = @transform_4, window_bounds = array<i64: 1000, 128>}]} {
    %get3A = arith.constant 0 : index
    %get3A_0 = arith.constant 0 : index
    %get3A_1 = vector.load %arg1[%get3A, %get3A_0] : memref<1000x128xf32, #tpu.memory_space<vmem>>, vector<1000x128xf32>
    %get3A_2 = arith.constant 0 : index
    %get3A_3 = arith.constant 0 : index
    %get3A_4 = arith.constant 0 : index
    %get3A_5 = vector.load %arg2[%get3A_2, %get3A_3, %get3A_4] : memref<2x1000x128xf32, #tpu.memory_space<vmem>>, vector<1x1000x128xf32>
    %get3A_6 = vector.shape_cast %get3A_5 : vector<1x1000x128xf32> to vector<1000x128xf32>
    %get3A_7 = arith.constant 1 : index
    %get3A_8 = arith.constant 0 : index
    %get3A_9 = arith.constant 0 : index
    %get3A_10 = vector.load %arg2[%get3A_7, %get3A_8, %get3A_9] : memref<2x1000x128xf32, #tpu.memory_space<vmem>>, vector<1x1000x128xf32>
    %get3A_11 = vector.shape_cast %get3A_10 : vector<1x1000x128xf32> to vector<1000x128xf32>
    %add3A = arith.addf %get3A_6, %get3A_11 : vector<1000x128xf32>
    %sub3A = arith.subf %get3A_1, %add3A : vector<1000x128xf32>
    %get3A_12 = arith.constant 0 : index
    %get3A_13 = arith.constant 0 : index
    %get3A_14 = vector.load %arg3[%get3A_12, %get3A_13] : memref<128x128xf32, #tpu.memory_space<vmem>>, vector<128x128xf32>
    %dot_general3A = arith.constant dense<0.000000e+00> : vector<1000x128xf32>
    %dot_general3A_15 = tpu.matmul %sub3A, %get3A_14, %dot_general3A {dimension_numbers = #tpu.dot_dimension_numbers<[1], [0], [0], [1], [0, 0, 1, 1], [], []>, transpose_lhs_hint = false} : vector<1000x128xf32>, vector<128x128xf32>, vector<1000x128xf32> -> vector<1000x128xf32>
    %get3A_16 = arith.constant 0 : index
    %get3A_17 = arith.constant 0 : index
    %get3A_18 = vector.load %arg4[%get3A_16, %get3A_17] : memref<1x128xf32, #tpu.memory_space<vmem>>, vector<1x128xf32>
    %add3A_19 = vector.broadcast %get3A_18 : vector<1x128xf32> to vector<1000x128xf32>
    %add3A_20 = arith.addf %dot_general3A_15, %add3A_19 : vector<1000x128xf32>
    %max3A = arith.constant 0.000000e+00 : f32
    %max3A_21 = vector.broadcast %max3A : f32 to vector<1000x128xf32>
    %max3A_22 = arith.maximumf %add3A_20, %max3A_21 : vector<1000x128xf32>
    %swap3A = arith.constant 0 : index
    %swap3A_23 = arith.constant 0 : index
    %swap3A_24 = vector.load %arg5[%swap3A, %swap3A_23] : memref<1000x128xf32, #tpu.memory_space<vmem>>, vector<1000x128xf32>
    tpu.vector_store %arg5[%swap3A, %swap3A_23], %max3A_22 {strides = array<i32>} : memref<1000x128xf32, #tpu.memory_space<vmem>>, vector<1000x128xf32>,
    return
  }
  func.func @transform_0(%arg0: i32) -> (i32, i32) {
    %c0_i32 = arith.constant 0 : i32
    %c0_i32_0 = arith.constant 0 : i32
    return %arg0, %c0_i32 : i32, i32
  }
  func.func @transform_1(%arg0: i32) -> (i32, i32, i32) {
    %c0_i32 = arith.constant 0 : i32
    %c0_i32_0 = arith.constant 0 : i32
    %c0_i32_1 = arith.constant 0 : i32
    return %c0_i32, %arg0, %c0_i32_0 : i32, i32, i32
  }
  func.func @transform_2(%arg0: i32) -> (i32, i32) {
    %c0_i32 = arith.constant 0 : i32
    %c0_i32_0 = arith.constant 0 : i32
    %c0_i32_1 = arith.constant 0 : i32
    return %c0_i32, %c0_i32_0 : i32, i32
  }
  func.func @transform_3(%arg0: i32) -> (i32, i32) {
    %c0_i32 = arith.constant 0 : i32
    %c0_i32_0 = arith.constant 0 : i32
    %c0_i32_1 = arith.constant 0 : i32
    return %c0_i32, %c0_i32_0 : i32, i32
  }
  func.func @transform_4(%arg0: i32) -> (i32, i32) {
    %c0_i32 = arith.constant 0 : i32
    %c0_i32_0 = arith.constant 0 : i32
    return %arg0, %c0_i32 : i32, i32
  }
}

module attributes {stable_mosaic.version = 14 : i64} {
  func.func @_dense_body(%arg0: i32, %arg1: memref<1000x128xf32, #tpu.memory_space<vmem>>, %arg2: memref<2x1000x128xf32, #tpu.memory_space<vmem>>, %arg3: memref<128x128xf32, #tpu.memory_space<vmem>>, %arg4: memref<1x128xf32, #tpu.memory_space<vmem>>, %arg5: memref<1000x128xf32, #tpu.memory_space<vmem>>) attributes {dimension_semantics = [#tpu.dimension_semantics<arbitrary>], iteration_bounds = array<i64: 10>, scalar_prefetch = 0 : i64, scratch_operands = 0 : i64, tpu.core_type = #tpu.core_type<tc>, window_params = [{transform_indices = @transform_0, window_bounds = array<i64: 1000, 128>}, {transform_indices = @transform_1, window_bounds = array<i64: 2, 1000, 128>}, {pipeline_mode = #tpu.pipeline_mode<synchronous>, transform_indices = @transform_2, window_bounds = array<i64: 128, 128>}, {pipeline_mode = #tpu.pipeline_mode<synchronous>, transform_indices = @transform_3, window_bounds = array<i64: 1, 128>}, {transform_indices = @transform_4, window_bounds = array<i64: 1000, 128>}]} {
    %get3A = arith.constant 0 : index
    %get3A_0 = arith.constant 0 : index
    %get3A_1 = vector.load %arg1[%get3A, %get3A_0] : memref<1000x128xf32, #tpu.memory_space<vmem>>, vector<1000x128xf32>
    %get3A_2 = arith.constant 0 : index
    %get3A_3 = arith.constant 0 : index
    %get3A_4 = arith.constant 0 : index
    %get3A_5 = vector.load %arg2[%get3A_2, %get3A_3, %get3A_4] : memref<2x1000x128xf32, #tpu.memory_space<vmem>>, vector<1x1000x128xf32>
    %get3A_6 = vector.shape_cast %get3A_5 : vector<1x1000x128xf32> to vector<1000x128xf32>
    %get3A_7 = arith.constant 1 : index
    %get3A_8 = arith.constant 0 : index
    %get3A_9 = arith.constant 0 : index
    %get3A_10 = vector.load %arg2[%get3A_7, %get3A_8, %get3A_9] : memref<2x1000x128xf32, #tpu.memory_space<vmem>>, vector<1x1000x128xf32>
    %get3A_11 = vector.shape_cast %get3A_10 : vector<1x1000x128xf32> to vector<1000x128xf32>
    %add3A = arith.addf %get3A_6, %get3A_11 : vector<1000x128xf32>
    %sub3A = arith.subf %get3A_1, %add3A : vector<1000x128xf32>
    %get3A_12 = arith.constant 0 : index
    %get3A_13 = arith.constant 0 : index
    %get3A_14 = vector.load %arg3[%get3A_12, %get3A_13] : memref<128x128xf32, #tpu.memory_space<vmem>>, vector<128x128xf32>
    %dot_general3A = arith.constant dense<0.000000e+00> : vector<1000x128xf32>
    %dot_general3A_15 = tpu.matmul %sub3A, %get3A_14, %dot_general3A {dimension_numbers = #tpu.dot_dimension_numbers<[1], [0], [0], [1], [0, 0, 1, 1], [], []>, transpose_lhs_hint = false} : vector<1000x128xf32>, vector<128x128xf32>, vector<1000x128xf32> -> vector<1000x128xf32>
    %get3A_16 = arith.constant 0 : index
    %get3A_17 = arith.constant 0 : index
    %get3A_18 = vector.load %arg4[%get3A_16, %get3A_17] : memref<1x128xf32, #tpu.memory_space<vmem>>, vector<1x128xf32>
    %add3A_19 = vector.broadcast %get3A_18 : vector<1x128xf32> to vector<1000x128xf32>
    %add3A_20 = arith.addf %dot_general3A_15, %add3A_19 : vector<1000x128xf32>
    %max3A = arith.constant 0.000000e+00 : f32
    %max3A_21 = vector.broadcast %max3A : f32 to vector<1000x128xf32>
    %max3A_22 = arith.maximumf %add3A_20, %max3A_21 : vector<1000x128xf32>
    %swap3A = arith.constant 0 : index
    %swap3A_23 = arith.constant 0 : index
    %swap3A_24 = vector.load %arg5[%swap3A, %swap3A_23] : memref<1000x128xf32, #tpu.memory_space<vmem>>, vector<1000x128xf32>
    tpu.vector_store %arg5[%swap3A, %swap3A_23], %max3A_22 {strides = array<i32>} : memref<1000x128xf32, #tpu.memory_space<vmem>>, vector<1000x128xf32>,
    return
  }
  func.func @transform_0(%arg0: i32) -> (i32, i32) {
    %c0_i32 = arith.constant 0 : i32
    %c0_i32_0 = arith.constant 0 : i32
    return %arg0, %c0_i32 : i32, i32
  }
  func.func @transform_1(%arg0: i32) -> (i32, i32, i32) {
    %c0_i32 = arith.constant 0 : i32
    %c0_i32_0 = arith.constant 0 : i32
    %c0_i32_1 = arith.constant 0 : i32
    return %c0_i32, %arg0, %c0_i32_0 : i32, i32, i32
  }
  func.func @transform_2(%arg0: i32) -> (i32, i32) {
    %c0_i32 = arith.constant 0 : i32
    %c0_i32_0 = arith.constant 0 : i32
    %c0_i32_1 = arith.constant 0 : i32
    return %c0_i32, %c0_i32_0 : i32, i32
  }
  func.func @transform_3(%arg0: i32) -> (i32, i32) {
    %c0_i32 = arith.constant 0 : i32
    %c0_i32_0 = arith.constant 0 : i32
    %c0_i32_1 = arith.constant 0 : i32
    return %c0_i32, %c0_i32_0 : i32, i32
  }
  func.func @transform_4(%arg0: i32) -> (i32, i32) {
    %c0_i32 = arith.constant 0 : i32
    %c0_i32_0 = arith.constant 0 : i32
    return %arg0, %c0_i32 : i32, i32
  }
}

</mosaic_0001>

<sc_bundles>
// kernel: kernel.6.cloned.1.call-start
scs
__scs_entry_jumppad:
0x0: {  	(pc) =	sbr.rel $0x88, $3  }
0x1: {  	(tag) =	ssettag $0x0;
	lr =	simm.s32 $0x1  }
0x2: {  	[smem:$0x3F9B] =	sst lr;
	_ =	strace $0xD0000000  }
0x3: {  	_ = 	snop  }
0x4: {  	_ = 	snop  }
0x5: {  	_ = 	snop  }
0x6: {  	_ = 	snop  }
0x7: {  	_ = 	snop  }
__scs_overlays_trampoline_lowered:
0x8: {  	[smem:$0x3FAA] =	sst s0  }
0x9: {  	[smem:$0x3FAB] =	sst s1  }
0xa: {  	[smem:$0x3FAC] =	sst s2  }
0xb: {  	[smem:$0x3FAD] =	sst s3  }
0xc: {  	[smem:$0x3FAE] =	sst s4  }
0xd: {  	[smem:$0x3FAF] =	sst s5  }
0xe: {  	[smem:$0x3FB0] =	sst s6  }
0xf: {  	[smem:$0x3FB1] =	sst s7  }
0x10: {  	[smem:$0x3FB2] =	sst s8  }
0x11: {  	[smem:$0x3FB3] =	sst s9;
	s0 =	simm.s32 @!p0 $0x0  }
0x12: {  	s1 =	sld [smem:$0x3F99];
	s0 =	simm.s32 @p0 $0x1  }
0x13: {  	[smem:$0x3FB4] =	sst s0;
	s0 =	simm.s32 @!p1 $0x0  }
0x14: {  	s2 =	sld [smem:$0x3F98];
	s0 =	simm.s32 @p1 $0x1  }
0x15: {  	[smem:$0x3FB5] =	sst s0;
	s0 =	simm.s32 @!p2 $0x0  }
0x16: {  	s3 =	sld [smem:$0x3FDB];
	s0 =	simm.s32 @p2 $0x1  }
0x17: {  	s4 =	simm.s32 $0x1BF5;
	[smem:$0x3FB7] =	sst s0  }
0x18: {  	s0 =	sld [smem:$0x3F9A];
	_ =	swait.ge [sflag:s4], $0x0  }
0x19: {  	s7 =	sld [smem:$0x3F9B]  }
0x1a: {  	s8 =	sadd.s32 $0xFFFFE003, lr  }
0x1b: {  	s9 =	sadd.s32 $0xFFFFFEF7, lr;
	s5 =	simm.s32 $0xFFFFFFFF;
	p2 =	slt.u32 s8, $0xFFFFF086  }
0x1c: {  	p1 =	slt.u32 s9, $0xF7A;
	s5 =	simm.s32 @!p2 $0x0  }
0x1d: {  	s5 =	simm.s32 @p1 $0x1;
	p0 =	seq.s32 s7, s2  }
0x1e: {  	s7 =	smul.u32 @!p0 $0xF7A, s2;
	p2 =	seq.s32 @!p0 s5, $0x0  }
0x1f: {  	s9 =	smul.u32 $0xF7A, s1;
	s8 =	simm.s32 @!p0 $0x1BF5;
	p2 =	por !p2, p0  }
0x20: {  	[sflag:s8] =	ssyncset.s32 @!p0 $0xFFFFF086;
	s6 =	sadd.s32 @!p0 s3, s7;
	s7 =	simm.s32 @!p0 $0x108  }
0x21: {  	s3 =	sadd.s32 s3, s9;
	s6 =	sadd.s32 @!p0 $0x88, s6;
	s7 =	simm.s32 @p2 $0x1082  }
0x22: {  	[simem:s7], [sflag:s8] =	dma.local @!p0 [hbm:s6], $0xF7A  }
0x23: {  	s9 =	sor.u32 $0xD0000000, s2;
	s6 =	simm.s32 $0x108;
	_ =	swait.ge @!p0 [sflag:s8], $0x0  }
0x24: {  	s3 =	sadd.s32 $0x88, s3;
	s6 =	simm.s32 @!p1 $0x1082;
	[sflag:s4] =	ssyncset.s32 $0xFFFFF086  }
0x25: {  	[simem:s6], [sflag:s4] =	dma.local [hbm:s3], $0xF7A  }
0x26: {  	[smem:$0x3F9B] =	sst s1;
	(tag) =	ssettag s2;
	_ =	strace s9  }
0x27: {  	s1 =	sld [smem:$0x3FAB]  }
0x28: {  	s2 =	sld [smem:$0x3FAC]  }
0x29: {  	s4 =	sld [smem:$0x3FAE]  }
0x2a: {  	p0 =	seq.s32 s5, $0x0;
	s5 =	sld [smem:$0x3FAF]  }
0x2b: {  	s6 =	sld [smem:$0x3FB0]  }
0x2c: {  	s7 =	sld [smem:$0x3FB1]  }
0x2d: {  	s3 =	simm.s32 $0x108;
	s8 =	sld [smem:$0x3FB2]  }
0x2e: {  	s3 =	simm.s32 @!p0 $0x1082;
	s9 =	sld [smem:$0x3FB3]  }
0x2f: {  	lr =	sadd.s32 s0, s3;
	s0 =	sld [smem:$0x3FAA]  }
0x30: {  	s3 =	sld [smem:$0x3FAD]  }
0x31: {  	[smem:$0x3FB6] =	sst s10  }
0x32: {  	s10 =	sld [smem:$0x3FB4];
	_ =	sdelay $0x3  }
0x33: {  	p0 =	seq.s32 s10, $0x1;
	s10 =	sld [smem:$0x3FB6];
	_ =	sdelay $0x3  }
0x34: {  	[smem:$0x3FB6] =	sst s10  }
0x35: {  	s10 =	sld [smem:$0x3FB5];
	_ =	sdelay $0x3  }
0x36: {  	p1 =	seq.s32 s10, $0x1;
	s10 =	sld [smem:$0x3FB6];
	_ =	sdelay $0x3  }
0x37: {  	[smem:$0x3FB6] =	sst s10  }
0x38: {  	s10 =	sld [smem:$0x3FB7]  }
0x39: {  	_ = 	snop;
	(pc) =	sbr.ind lr, $3  }
0x3a: {  	_ = 	snop  }
0x3b: {  	_ = 	snop  }
0x3c: {  	p2 =	seq.s32 s10, $0x1;
	s10 =	sld [smem:$0x3FB6]  }
0x3d: {  	_ =	shalt  }
0x3e: {  	_ =	shalt  }
0x3f: {  	_ =	shalt  }
0x40: {  	_ =	shalt  }
0x41: {  	_ =	shalt  }
0x42: {  	_ =	shalt  }
0x43: {  	_ =	shalt  }
0x44: {  	_ =	shalt  }
0x45: {  	_ =	shalt  }
0x46: {  	_ =	shalt  }
0x47: {  	_ =	shalt  }
0x48: {  	_ =	shalt  }
0x49: {  	_ =	shalt  }
0x4a: {  	_ =	shalt  }
0x4b: {  	_ =	shalt  }
0x4c: {  	_ =	shalt  }
0x4d: {  	_ =	shalt  }
0x4e: {  	_ =	shalt  }
0x4f: {  	_ =	shalt  }
0x50: {  	_ =	shalt  }
0x51: {  	_ =	shalt  }
0x52: {  	_ =	shalt  }
0x53: {  	_ =	shalt  }
0x54: {  	_ =	shalt  }
0x55: {  	_ =	shalt  }
0x56: {  	_ =	shalt  }
0x57: {  	_ =	shalt  }
0x58: {  	_ =	shalt  }
0x59: {  	_ =	shalt  }
0x5a: {  	_ =	shalt  }
0x5b: {  	_ =	shalt  }
0x5c: {  	_ =	shalt  }
0x5d: {  	_ =	shalt  }
0x5e: {  	_ =	shalt  }
0x5f: {  	_ =	shalt  }
0x60: {  	_ =	shalt  }
0x61: {  	_ =	shalt  }
0x62: {  	_ =	shalt  }
0x63: {  	_ =	shalt  }
0x64: {  	_ =	shalt  }
0x65: {  	_ =	shalt  }
0x66: {  	_ =	shalt  }
0x67: {  	_ =	shalt  }
0x68: {  	_ =	shalt  }
0x69: {  	_ =	shalt  }
0x6a: {  	_ =	shalt  }
0x6b: {  	_ =	shalt  }
0x6c: {  	_ =	shalt  }
0x6d: {  	_ =	shalt  }
0x6e: {  	_ =	shalt  }
0x6f: {  	_ =	shalt  }
0x70: {  	_ =	shalt  }
0x71: {  	_ =	shalt  }
0x72: {  	_ =	shalt  }
0x73: {  	_ =	shalt  }
0x74: {  	_ =	shalt  }
0x75: {  	_ =	shalt  }
0x76: {  	_ =	shalt  }
0x77: {  	_ =	shalt  }
0x78: {  	_ =	shalt  }
0x79: {  	_ =	shalt  }
0x7a: {  	_ =	shalt  }
0x7b: {  	_ =	shalt  }
0x7c: {  	_ =	shalt  }
0x7d: {  	_ =	shalt  }
0x7e: {  	_ =	shalt  }
0x7f: {  	_ =	shalt  }
0x80: {  	_ =	shalt  }
0x81: {  	_ =	shalt  }
0x82: {  	_ =	shalt  }
0x83: {  	_ =	shalt  }
0x84: {  	_ =	shalt  }
0x85: {  	_ =	shalt  }
0x86: {  	_ =	shalt  }
0x87: {  	_ =	shalt  }
.Lfunc_end0:
.L_simem_size_0:
called_computation_lowered:
.L_overlay_start_0:
0x88: {  	s2 =	sld [smem:$0x3FD9]  }
0x89: {  	s3 =	sld [smem:$0x3FFE];
	_ =	sdelay $0x1  }
0x8a: {  	s1 =	srdreg.scid  }
0x8b: {  	s0 =	sand.u32 $0x1, s1  }
0x8c: {  	s17 =	sshll.u32 s0, $0xA;
	s2 =	sadd.s32 s3, s2  }
0x8d: {  	s2 =	sadd.s32 s2, s17  }
0x8e: {  	[smem:$0x3FC2] =	sst s2  }
0x8f: {  	_ = 	snop  }
0x90: {  	s2 =	sld [smem:$0x3FC7]  }
0x91: {  	s18 =	sld [smem:$0x3FD0];
	(tm) =	ssettm $0x1  }
0x92: {  	s4 =	sld [smem:$0x3FFB];
	_ =	sdelay $0x3  }
0x93: {  	_ =	strace s4  }
0x94: {  	s4 =	sld [smem:$0x3FFC];
	_ =	sdelay $0x3  }
0x95: {  	_ =	strace s4  }
0x96: {  	s4 =	sld [smem:$0x3FFD];
	_ =	sdelay $0x3  }
0x97: {  	_ =	strace s4  }
0x98: {  	_ =	strace $0x8FFFFFFF  }
0x99: {  	s19 =	sld [smem:$0x3FDB];
	_ =	sdelay $0x1  }
0x9a: {  	s5 =	simm.s32 $_scs_section_size  }
0x9b: {  	s6 =	simm.s32 $_size__tile_overlayer_lowered;
	s7 =	simm.s32 $_tile_overlayer_lowered  }
0x9c: {  	s22 =	simm.s32 $0x1BFF;
	s21 =	sshll.u32 s7, $0x1;
	s4 =	sadd.s32 s5, s19  }
0x9d: {  	s8 =	simm.s32 $0x0;
	s20 =	sshll.u32 s6, $0x1;
	s6 =	sadd.s32 s21, s4  }
0x9e: {  	[timem:s8], [sflag:s22] =	dma.local [hbm:s6], s20  }
0x9f: {  	_ =	swait.ge [sflag:s22], s20  }
0xa0: {  	s5 =	ssub.s32 $0x0, s20;
	[sflag:s22] =	ssyncset.done $0x0  }
0xa1: {  	[sflag:s22] =	ssyncadd.s32 s5;
	_ =	sdelay $0x1  }
0xa2: {  	s23 =	simm.s32 $0x1B8B  }
0xa3: {  	_ =	swait.ge [sflag:s23], $0x1  }
0xa4: {  	[sflag:s23] =	ssyncset.done $0x0  }
0xa5: {  	s25 =	simm.s32 $0x1B8E;
	s24 =	sld [smem:$0x3FFE];
	[sflag:s23] =	ssyncadd.s32 $0xFFFFFFFF  }
0xa6: {  	s26 =	simm.s32 $execute0_lowered;
	[smem:$0x3FD2] =	sst s25  }
0xa7: {  	s6 =	sshll.u32 s26, $0x1;
	_ =	strace $0x80000046;
	[dreg:$0x1] =	wrdreg $0xFFFFFFFF  }
0xa8: {  	s28 =	simm.s32 $_size_execute0_lowered;
	s4 =	sadd.s32 s4, s6;
	[dreg:$0x0] =	wrdreg $0x0  }
0xa9: {  	s6 =	sshll.u32 s28, $0x1;
	[dreg:$0x2] =	wrdreg s4  }
0xaa: {  	[dreg:$0x3] =	wrdreg s6  }
0xab: {  	[dreg:$0x4] =	wrdreg $0xC0  }
0xac: {  	_ =	task [dreg:s8], $0x5FFFF  }
0xad: {  	[dreg:$0x1] =	wrdreg $0xFFFFFFFF  }
0xae: {  	[dreg:$0x0] =	wrdreg $0x60  }
0xaf: {  	[dreg:$0x2] =	wrdreg s2  }
0xb0: {  	[dreg:$0x3] =	wrdreg s24  }
0xb1: {  	[dreg:$0x4] =	wrdreg s18  }
0xb2: {  	[dreg:$0x5] =	wrdreg $0xB8000  }
0xb3: {  	[dreg:$0x6] =	wrdreg $0x9  }
0xb4: {  	_ =	task.clear_ibuf [dreg:s8], $0x7FFFF;
	_ =	strace $0x90000046  }
0xb5: {  	s29 =	simm.s32 $0x9;
	_ =	strace $0x80000048  }
0xb6: {  	_ =	swait.ge [sflag:s29], $0x1  }
0xb7: {  	[sflag:s29] =	ssyncadd.s32 $0xFFFFFFFF  }
0xb8: {  	_ =	strace $0x90000048  }
0xb9: {  	_ =	sfence  }
0xba: {  	s30 =	sld [smem:$0x0];
	_ =	sdelay $0x2  }
0xbb: {  	s31 =	sshll.u32 s1, $0xD;
	s1 =	sshrl.u32 s1, $0x2  }
0xbc: {  	s3 =	sand.u32 $0x4000, s31;
	s1 =	sadd.s32 s1, s30  }
0xbd: {  	s0 =	sor.u32 s3, s0;
	s1 =	sshll.u32 s1, $0x11  }
0xbe: {  	s0 =	sor.u32 s1, s0  }
0xbf: {  	s0 =	sadd.s32 $0x8F2B, s0  }
0xc0: {  	[sflag:s0] =	ssyncadd.remote.s32 $0x1  }
0xc1: {  	_ =	sfence.sel $0xFFFF  }
0xc2: {  	[dreg:$0x0] =	wrdreg $0xFFFFFFFF;
	(pc) =	sbr.abs _section_cstart, $3  }
0xc3: {  	[dreg:$0x1] =	wrdreg $0xFFFFFFFF  }
0xc4: {  	_ =	task.clear_ibuf [dreg:s8], $0x2FFFF;
	_ =	strace $0x9FFFFFFF  }
0xc5: {  	(tm) =	ssettm $0x7FFFFFFF  }
tec
execute0_lowered:
.L_overlay_start_1:
0x0: {  	(tag) =	ssettag $0x1  }
0x1: {  	s1 =	rddreg [dreg:$0x0]  }
0x2: {  	s6 =	rddreg [dreg:$0x1]  }
0x3: {  	s0 =	srdreg.scid;
	s9 =	rddreg [dreg:$0x2]  }
0x4: {  	s3 =	rddreg [dreg:$0x3];
	s4 =	simm.s32 $0x0;
	s15 =	simm.s32 $0x5000  }
0x5: {  	s16 =	simm.s32 $0x80;
	s17 =	simm.s32 $0x7800;
	s5 =	sand.u32 $0x1, s0  }
0x6: {  	s18 =	simm.s32 $0x1;
	s0 =	stileid.u32;
	s10 =	smul.u32 $0x140000, s5  }
0x7: {  	s19 =	simm.s32 $0x0;
	[smem:$0x7FF] =	sst s4;
	s11 =	smul.u32 $0x14000, s0  }
0x8: {  	s2 =	sshll.u32 s5, $0x4;
	s28 =	ssub.s32 $0x2, s5;
	s13 =	smul.u32 $0x50000, s0  }
0x9: {  	s5 =	sadd.s32 $0x20600, s6;
	s30 =	sshll.u32 s0, $0x6;
	s7 =	sor.u32 s0, s2  }
0xa: {  	s2 =	rddreg [dreg:$0x4];
	_ =	strace $0x80000047;
	s12 =	sshrl.u32 s28, $0x1  }
0xb: {  	s8 =	smul.u32 $0x500, s7;
	s10 =	sadd.s32 s11, s10;
	s11 =	ssub.s32 s28, s12  }
0xc: {  	s29 =	sshrl.u32 s13, $0x2;
	s31 =	smul.u32 $0x4F0, s7;
	s13 =	simm.s32 $0x2  }
0xd: {  	s10 =	sshrl.u32 s10, $0x3;
	s14 =	sadd.s32 s29, s3;
	s11 =	smax.u32 s11, $0x1  }
0xe: {  	s8 =	sadd.s32 s8, s6;
	s10 =	sadd.s32 s10, s6;
	s6 =	sor.u32 $0x1C02, s30  }
0xf: {  	s9 =	sadd.s32 s9, s31;
	s12 =	sshrl.u32 s14, $0x3;
	s14 =	simm.s32 $0x2800  }
0x10: {  	s7 =	sadd.s32 $0x2800, s8;
	s8 =	sadd.s32 $0xC800, s8;
	s10 =	sadd.s32 $0x22E00, s10  }
.LBB2_1:
0x11: {  	[spmem:s12], [sflag:s6] =	dma.local [hbm:s5], $0x2800  }
0x12: {  	_ =	swait.ge [sflag:s13], $0x2800  }
0x13: {  	[sflag:s13] =	ssyncset.done $0x0  }
0x14: {  	[sflag:s13] =	ssyncadd.s32 $0xFFFFD800  }
0x15: {  	[tilespmem:s4], [sflag:$0x2] =	stream.linear.gather [hbm4b:s7+s4], $0x2780, $0x38;
	[tilespmem:$0x1F800] =	vst v63  }
0x16: {  	_ =	swait.ge [sflag:s13], $0x2780  }
0x17: {  	[sflag:s13] =	ssyncset.done $0x0  }
0x18: {  	[sflag:s13] =	ssyncadd.s32 $0xFFFFD880  }
0x19: {  	[tilespmem:s14], [sflag:$0x2] =	stream.linear.gather [hbm4b:s8+s4], $0x2780, $0x38;
	[tilespmem:$0x1F800] =	vst v63  }
0x1a: {  	_ =	swait.ge [sflag:s13], $0x2780  }
0x1b: {  	[sflag:s13] =	ssyncset.done $0x0  }
0x1c: {  	[sflag:s13] =	ssyncadd.s32 $0xFFFFD880  }
0x1d: {  	[tilespmem:s15], [sflag:$0x2] =	stream.linear.gather [hbm4b:s9+s4], $0x2780, $0x38;
	[tilespmem:$0x1F800] =	vst v63  }
0x1e: {  	_ =	swait.ge [sflag:s13], $0x2780  }
0x1f: {  	[sflag:s13] =	ssyncset.done $0x0  }
0x20: {  	[sflag:s13] =	ssyncadd.s32 $0xFFFFD880  }
0x21: {  	s20 =	simm.s32 $0x5001;
	s21 =	simm.s32 $0x0;
	[bflag:$0x0] =	sbarrier.arrive $0xFFFF  }
.LBB2_2:
0x22: {  	s22 =	sshll.u32 s21, $0x7  }
0x23: {  	[tilespmem:s17], [sflag:$0x1] =	stream.indirect.gather [hbm4b:s1+s16], $0x80, s22, s16, $0xb8;
	[tilespmem:$0x1F800] =	vst v63  }
0x24: {  	_ =	swait.ge [sflag:s18], $0x4000  }
0x25: {  	[sflag:s18] =	ssyncset.done $0x0  }
0x26: {  	[sflag:s18] =	ssyncadd.s32 $0xFFFFC000  }
0x27: {  	s23 =	simm.s32 $0x7880;
	v4 =	vld.msk [tilespmem:s20+$0xFFFFFFFF ss:$0x0], $0xffff  }
0x28: {  	v1 =	vld [tilespmem:s23+$0xFFFFFFF0]  }
0x29: {  	v5 =	vld [tilespmem:s23+$0xFFFFFF80]  }
0x2a: {  	v6 =	vld [tilespmem:s23+$0xFFFFFFA0]  }
0x2b: {  	v7 =	vld [tilespmem:s23+$0xFFFFFFB0]  }
0x2c: {  	v2 =	vld [tilespmem:s23+$0xFFFFFFD0]  }
0x2d: {  	v9 =	vld [tilespmem:s23+$0xFFFFFF90];
	v10 =	vmul.f32 v1, v4  }
0x2e: {  	v8 =	vld [tilespmem:s23+$0xFFFFFFE0];
	v5 =	vmul.f32 v4, v5  }
0x2f: {  	v3 =	vld [tilespmem:s23+$0xFFFFFFC0];
	v6 =	vmul.f32 v6, v4;
	[tilespmem:s23+$0xFFFFFFF0] =	vst v10  }
0x30: {  	v7 =	vmul.f32 v7, v4;
	[tilespmem:s23+$0xFFFFFF80] =	vst v5  }
0x31: {  	v2 =	vmul.f32 v2, v4;
	[tilespmem:s23+$0xFFFFFFA0] =	vst v6  }
0x32: {  	v5 =	vmul.f32 v9, v4;
	[tilespmem:s23+$0xFFFFFFB0] =	vst v7  }
0x33: {  	v0 =	vld [tilespmem:s23+$0x0];
	v6 =	vmul.f32 v8, v4;
	[tilespmem:s23+$0xFFFFFFD0] =	vst v2  }
0x34: {  	v1 =	vld [tilespmem:s23+$0x10];
	v2 =	vmul.f32 v3, v4;
	[tilespmem:s23+$0xFFFFFF90] =	vst v5  }
0x35: {  	v4 =	vld [tilespmem:s23+$0x50];
	[tilespmem:s23+$0xFFFFFFE0] =	vst v6  }
0x36: {  	v3 =	vld [tilespmem:s23+$0x60];
	[tilespmem:s23+$0xFFFFFFC0] =	vst v2  }
0x37: {  	s24 =	simm.s32 $0x0;
	s25 =	smov.u32 s20;
	s26 =	simm.s32 $0x7880;
	v2 =	vld.msk [tilespmem:s20+$0x0 ss:$0x0], $0xffff  }
.LBB2_3:
0x38: {  	s24 =	sadd.s32 $0x2, s24;
	v5 =	vld [tilespmem:s23+$0x30];
	s25 =	sadd.s32 $0x2, s25;
	s26 =	sadd.s32 $0x100, s26  }
0x39: {  	p0 =	slt.u32 s24, $0x7E;
	v6 =	vld [tilespmem:s23+$0x20]  }
0x3a: {  	v7 =	vld [tilespmem:s23+$0x40]  }
0x3b: {  	v8 =	vld [tilespmem:s23+$0x70];
	_ =	sdelay $0x1  }
0x3c: {  	v0 =	vmul.f32 v2, v0;
	v1 =	vmul.f32 v1, v2  }
0x3d: {  	v5 =	vmul.f32 v5, v2;
	v6 =	vmul.f32 v6, v2  }
0x3e: {  	v4 =	vmul.f32 v4, v2;
	[tilespmem:s23+$0x0] =	vst v0;
	v7 =	vmul.f32 v7, v2  }
0x3f: {  	v3 =	vmul.f32 v3, v2;
	v0 =	vld [tilespmem:s26+$0x0];
	[tilespmem:s23+$0x30] =	vst v5;
	v2 =	vmul.f32 v8, v2  }
0x40: {  	[tilespmem:s23+$0x40] =	vst v7  }
0x41: {  	v5 =	vld [tilespmem:s26+$0xFFFFFFD0];
	[tilespmem:s23+$0x50] =	vst v4  }
0x42: {  	v4 =	vld [tilespmem:s26+$0xFFFFFFC0];
	[tilespmem:s23+$0x20] =	vst v6  }
0x43: {  	v6 =	vld [tilespmem:s26+$0xFFFFFFB0];
	[tilespmem:s23+$0x60] =	vst v3  }
0x44: {  	v3 =	vld [tilespmem:s26+$0xFFFFFFE0];
	[tilespmem:s23+$0x10] =	vst v1  }
0x45: {  	v7 =	vld [tilespmem:s26+$0xFFFFFF80];
	[tilespmem:s23+$0x70] =	vst v2;
	s23 =	smov.u32 s26  }
0x46: {  	v2 =	vld.msk [tilespmem:s25+$0xFFFFFFFF ss:$0x0], $0xffff  }
0x47: {  	v8 =	vld [tilespmem:s26+$0xFFFFFFF0]  }
0x48: {  	v9 =	vld [tilespmem:s26+$0xFFFFFFA0]  }
0x49: {  	v10 =	vld [tilespmem:s26+$0xFFFFFF90]  }
0x4a: {  	v1 =	vld [tilespmem:s26+$0x10];
	_ =	sdelay $0x1  }
0x4b: {  	v7 =	vmul.f32 v2, v7;
	v8 =	vmul.f32 v8, v2  }
0x4c: {  	v3 =	vmul.f32 v3, v2;
	v9 =	vmul.f32 v9, v2  }
0x4d: {  	v6 =	vmul.f32 v6, v2;
	v10 =	vmul.f32 v10, v2;
	[tilespmem:s26+$0xFFFFFFF0] =	vst v8  }
0x4e: {  	[tilespmem:s26+$0xFFFFFF80] =	vst v7;
	v7 =	vmul.f32 v4, v2;
	v2 =	vmul.f32 v5, v2  }
0x4f: {  	[tilespmem:s26+$0xFFFFFFA0] =	vst v9  }
0x50: {  	[tilespmem:s26+$0xFFFFFFB0] =	vst v6  }
.Ltmp0:
0x51: {  	[tilespmem:s26+$0xFFFFFFD0] =	vst v2;
	(pc) =	sbr.rel @p0 .LBB2_3-.Ltmp0, $4  }
0x52: {  	[tilespmem:s26+$0xFFFFFF90] =	vst v10  }
0x53: {  	[tilespmem:s26+$0xFFFFFFE0] =	vst v3;
	v4 =	vld [tilespmem:s26+$0x50]  }
0x54: {  	[tilespmem:s26+$0xFFFFFFC0] =	vst v7;
	v3 =	vld [tilespmem:s26+$0x60]  }
0x55: {  	v2 =	vld.msk [tilespmem:s25+$0x0 ss:$0x0], $0xffff  }
0x56: {  	_ =	sdelay $0x2  }
0x57: {  	v5 =	vld [tilespmem:s23+$0x30]  }
0x58: {  	v6 =	vld [tilespmem:s23+$0x40];
	v0 =	vmul.f32 v2, v0  }
0x59: {  	v7 =	vld [tilespmem:s23+$0x20];
	v4 =	vmul.f32 v4, v2  }
0x5a: {  	v8 =	vld [tilespmem:s23+$0x70];
	v62 =	vmul.f32 v3, v2;
	[tilespmem:s23+$0x0] =	vst v0  }
0x5b: {  	v1 =	vmul.f32 v1, v2;
	[tilespmem:s23+$0x50] =	vst v4  }
0x5c: {  	v5 =	vmul.f32 v5, v2;
	[tilespmem:s23+$0x60] =	vst v62  }
0x5d: {  	v60 =	vmul.f32 v6, v2;
	[tilespmem:s23+$0x10] =	vst v1  }
0x5e: {  	v61 =	vmul.f32 v7, v2;
	[tilespmem:s23+$0x30] =	vst v5  }
0x5f: {  	s21 =	sadd.s32 $0x1, s21;
	v63 =	vmul.f32 v8, v2;
	[tilespmem:s23+$0x40] =	vst v60  }
0x60: {  	p0 =	sne.s32 s21, $0x4F;
	[tilespmem:s23+$0x20] =	vst v61  }
.Ltmp1:
0x61: {  	s22 =	sadd.s32 $0x2800, s22;
	[tilespmem:s23+$0x70] =	vst v63;
	(pc) =	sbr.rel @p0 .LBB2_2-.Ltmp1, $4  }
0x62: {  	[spmem:s3] =	stream.indirect.scatter.add.f32 [tilespmem:s17], [sflag:$0x2], $0x80, s22, s16, $0xb8;
	[tilespmem:$0x1F800] =	vst v63  }
0x63: {  	_ =	swait.ge [sflag:s13], $0x4000  }
0x64: {  	[sflag:s13] =	ssyncset.done $0x0  }
0x65: {  	s20 =	sadd.s32 $0x80, s20;
	[sflag:s13] =	ssyncadd.s32 $0xFFFFC000  }
0x66: {  	s19 =	sadd.s32 $0x1, s19  }
0x67: {  	p0 =	sne.s32 s19, s11  }
.Ltmp2:
0x68: {  	[bflag:$0x0] =	sbarrier.arrive $0xFFFF;
	(pc) =	sbr.rel @p0 .LBB2_1-.Ltmp2, $4  }
0x69: {  	[hbm:s10], [sflag:s6] =	dma.local [spmem:s12], $0x2800  }
0x6a: {  	_ =	swait.ge [sflag:s13], $0x2800  }
0x6b: {  	[sflag:s13] =	ssyncset.done $0x0  }
0x6c: {  	[sflag:s13] =	ssyncadd.s32 $0xFFFFD800  }
0x6d: {  	_ =	sfence.sel $0x180000  }
0x6e: {  	[bflag:$0x0] =	sbarrier.arrive $0xFFFF  }
0x6f: {  	p0 =	sne.s32 s0, $0x0;
	_ =	strace $0x90000047  }
0x70: {  	s0 =	sadd.s32 @!p0 $0x100000, s2;
	[bflag:$0x2] =	sbarrier.arrive $0xFFFF  }
0x71: {  	[sflag:s0] =	ssyncadd.tile.s32 @!p0 $0x1;
	_ =	shalt  }
.Lfunc_end2:
_tile_overlayer_lowered:
.L_overlay_start_2:
0x72: {  	(tag) =	ssettag $0x2  }
0x73: {  	s0 =	rddreg [dreg:$0x0];
	s2 =	stileid.u32  }
0x74: {  	s1 =	rddreg [dreg:$0x1];
	p0 =	sne.s32 s2, $0x0  }
0x75: {  	s3 =	rddreg [dreg:$0x2];
	[bflag:$0x3] =	sbarrier.arrive $0xFFFF;
	s2 =	simm.s32 @!p0 $0x1C02  }
0x76: {  	[timem:s3], [sflag:s2] =	dma.local @!p0 [hbm:s0], s1  }
0x77: {  	s0 =	simm.s32 @!p0 $0x2  }
0x78: {  	_ =	swait.ge @!p0 [sflag:s0], s1  }
0x79: {  	s1 =	ssub.s32 @!p0 $0x0, s1;
	[sflag:s0] =	ssyncset.done @!p0 $0x0  }
0x7a: {  	[sflag:s0] =	ssyncadd.s32 @!p0 s1  }
0x7b: {  	[bflag:$0x3] =	sbarrier.arrive $0xFFFF  }
0x7c: {  	_ =	shalt  }

// kernel: kernel.9.cloned.1.call-start
scs
__scs_entry_jumppad:
0x0: {  	(pc) =	sbr.rel $0x88, $3  }
0x1: {  	(tag) =	ssettag $0x0;
	lr =	simm.s32 $0x1  }
0x2: {  	[smem:$0x3F9B] =	sst lr;
	_ =	strace $0xD0000000  }
0x3: {  	_ = 	snop  }
0x4: {  	_ = 	snop  }
0x5: {  	_ = 	snop  }
0x6: {  	_ = 	snop  }
0x7: {  	_ = 	snop  }
__scs_overlays_trampoline_lowered:
0x8: {  	[smem:$0x3FAA] =	sst s0  }
0x9: {  	[smem:$0x3FAB] =	sst s1  }
0xa: {  	[smem:$0x3FAC] =	sst s2  }
0xb: {  	[smem:$0x3FAD] =	sst s3  }
0xc: {  	[smem:$0x3FAE] =	sst s4  }
0xd: {  	[smem:$0x3FAF] =	sst s5  }
0xe: {  	[smem:$0x3FB0] =	sst s6  }
0xf: {  	[smem:$0x3FB1] =	sst s7  }
0x10: {  	[smem:$0x3FB2] =	sst s8  }
0x11: {  	[smem:$0x3FB3] =	sst s9;
	s0 =	simm.s32 @!p0 $0x0  }
0x12: {  	s1 =	sld [smem:$0x3F99];
	s0 =	simm.s32 @p0 $0x1  }
0x13: {  	[smem:$0x3FB4] =	sst s0;
	s0 =	simm.s32 @!p1 $0x0  }
0x14: {  	s2 =	sld [smem:$0x3F98];
	s0 =	simm.s32 @p1 $0x1  }
0x15: {  	[smem:$0x3FB5] =	sst s0;
	s0 =	simm.s32 @!p2 $0x0  }
0x16: {  	s3 =	sld [smem:$0x3FDB];
	s0 =	simm.s32 @p2 $0x1  }
0x17: {  	s4 =	simm.s32 $0x1BF5;
	[smem:$0x3FB7] =	sst s0  }
0x18: {  	s0 =	sld [smem:$0x3F9A];
	_ =	swait.ge [sflag:s4], $0x0  }
0x19: {  	s7 =	sld [smem:$0x3F9B]  }
0x1a: {  	s8 =	sadd.s32 $0xFFFFE003, lr  }
0x1b: {  	s9 =	sadd.s32 $0xFFFFFEF7, lr;
	s5 =	simm.s32 $0xFFFFFFFF;
	p2 =	slt.u32 s8, $0xFFFFF086  }
0x1c: {  	p1 =	slt.u32 s9, $0xF7A;
	s5 =	simm.s32 @!p2 $0x0  }
0x1d: {  	s5 =	simm.s32 @p1 $0x1;
	p0 =	seq.s32 s7, s2  }
0x1e: {  	s7 =	smul.u32 @!p0 $0xF7A, s2;
	p2 =	seq.s32 @!p0 s5, $0x0  }
0x1f: {  	s9 =	smul.u32 $0xF7A, s1;
	s8 =	simm.s32 @!p0 $0x1BF5;
	p2 =	por !p2, p0  }
0x20: {  	[sflag:s8] =	ssyncset.s32 @!p0 $0xFFFFF086;
	s6 =	sadd.s32 @!p0 s3, s7;
	s7 =	simm.s32 @!p0 $0x108  }
0x21: {  	s3 =	sadd.s32 s3, s9;
	s6 =	sadd.s32 @!p0 $0x88, s6;
	s7 =	simm.s32 @p2 $0x1082  }
0x22: {  	[simem:s7], [sflag:s8] =	dma.local @!p0 [hbm:s6], $0xF7A  }
0x23: {  	s9 =	sor.u32 $0xD0000000, s2;
	s6 =	simm.s32 $0x108;
	_ =	swait.ge @!p0 [sflag:s8], $0x0  }
0x24: {  	s3 =	sadd.s32 $0x88, s3;
	s6 =	simm.s32 @!p1 $0x1082;
	[sflag:s4] =	ssyncset.s32 $0xFFFFF086  }
0x25: {  	[simem:s6], [sflag:s4] =	dma.local [hbm:s3], $0xF7A  }
0x26: {  	[smem:$0x3F9B] =	sst s1;
	(tag) =	ssettag s2;
	_ =	strace s9  }
0x27: {  	s1 =	sld [smem:$0x3FAB]  }
0x28: {  	s2 =	sld [smem:$0x3FAC]  }
0x29: {  	s4 =	sld [smem:$0x3FAE]  }
0x2a: {  	p0 =	seq.s32 s5, $0x0;
	s5 =	sld [smem:$0x3FAF]  }
0x2b: {  	s6 =	sld [smem:$0x3FB0]  }
0x2c: {  	s7 =	sld [smem:$0x3FB1]  }
0x2d: {  	s3 =	simm.s32 $0x108;
	s8 =	sld [smem:$0x3FB2]  }
0x2e: {  	s3 =	simm.s32 @!p0 $0x1082;
	s9 =	sld [smem:$0x3FB3]  }
0x2f: {  	lr =	sadd.s32 s0, s3;
	s0 =	sld [smem:$0x3FAA]  }
0x30: {  	s3 =	sld [smem:$0x3FAD]  }
0x31: {  	[smem:$0x3FB6] =	sst s10  }
0x32: {  	s10 =	sld [smem:$0x3FB4];
	_ =	sdelay $0x3  }
0x33: {  	p0 =	seq.s32 s10, $0x1;
	s10 =	sld [smem:$0x3FB6];
	_ =	sdelay $0x3  }
0x34: {  	[smem:$0x3FB6] =	sst s10  }
0x35: {  	s10 =	sld [smem:$0x3FB5];
	_ =	sdelay $0x3  }
0x36: {  	p1 =	seq.s32 s10, $0x1;
	s10 =	sld [smem:$0x3FB6];
	_ =	sdelay $0x3  }
0x37: {  	[smem:$0x3FB6] =	sst s10  }
0x38: {  	s10 =	sld [smem:$0x3FB7]  }
0x39: {  	_ = 	snop;
	(pc) =	sbr.ind lr, $3  }
0x3a: {  	_ = 	snop  }
0x3b: {  	_ = 	snop  }
0x3c: {  	p2 =	seq.s32 s10, $0x1;
	s10 =	sld [smem:$0x3FB6]  }
0x3d: {  	_ =	shalt  }
0x3e: {  	_ =	shalt  }
0x3f: {  	_ =	shalt  }
0x40: {  	_ =	shalt  }
0x41: {  	_ =	shalt  }
0x42: {  	_ =	shalt  }
0x43: {  	_ =	shalt  }
0x44: {  	_ =	shalt  }
0x45: {  	_ =	shalt  }
0x46: {  	_ =	shalt  }
0x47: {  	_ =	shalt  }
0x48: {  	_ =	shalt  }
0x49: {  	_ =	shalt  }
0x4a: {  	_ =	shalt  }
0x4b: {  	_ =	shalt  }
0x4c: {  	_ =	shalt  }
0x4d: {  	_ =	shalt  }
0x4e: {  	_ =	shalt  }
0x4f: {  	_ =	shalt  }
0x50: {  	_ =	shalt  }
0x51: {  	_ =	shalt  }
0x52: {  	_ =	shalt  }
0x53: {  	_ =	shalt  }
0x54: {  	_ =	shalt  }
0x55: {  	_ =	shalt  }
0x56: {  	_ =	shalt  }
0x57: {  	_ =	shalt  }
0x58: {  	_ =	shalt  }
0x59: {  	_ =	shalt  }
0x5a: {  	_ =	shalt  }
0x5b: {  	_ =	shalt  }
0x5c: {  	_ =	shalt  }
0x5d: {  	_ =	shalt  }
0x5e: {  	_ =	shalt  }
0x5f: {  	_ =	shalt  }
0x60: {  	_ =	shalt  }
0x61: {  	_ =	shalt  }
0x62: {  	_ =	shalt  }
0x63: {  	_ =	shalt  }
0x64: {  	_ =	shalt  }
0x65: {  	_ =	shalt  }
0x66: {  	_ =	shalt  }
0x67: {  	_ =	shalt  }
0x68: {  	_ =	shalt  }
0x69: {  	_ =	shalt  }
0x6a: {  	_ =	shalt  }
0x6b: {  	_ =	shalt  }
0x6c: {  	_ =	shalt  }
0x6d: {  	_ =	shalt  }
0x6e: {  	_ =	shalt  }
0x6f: {  	_ =	shalt  }
0x70: {  	_ =	shalt  }
0x71: {  	_ =	shalt  }
0x72: {  	_ =	shalt  }
0x73: {  	_ =	shalt  }
0x74: {  	_ =	shalt  }
0x75: {  	_ =	shalt  }
0x76: {  	_ =	shalt  }
0x77: {  	_ =	shalt  }
0x78: {  	_ =	shalt  }
0x79: {  	_ =	shalt  }
0x7a: {  	_ =	shalt  }
0x7b: {  	_ =	shalt  }
0x7c: {  	_ =	shalt  }
0x7d: {  	_ =	shalt  }
0x7e: {  	_ =	shalt  }
0x7f: {  	_ =	shalt  }
0x80: {  	_ =	shalt  }
0x81: {  	_ =	shalt  }
0x82: {  	_ =	shalt  }
0x83: {  	_ =	shalt  }
0x84: {  	_ =	shalt  }
0x85: {  	_ =	shalt  }
0x86: {  	_ =	shalt  }
0x87: {  	_ =	shalt  }
.Lfunc_end0:
.L_simem_size_0:
called_computation.1_lowered:
.L_overlay_start_0:
0x88: {  	s2 =	sld [smem:$0x3FD9]  }
0x89: {  	s3 =	sld [smem:$0x3FFE];
	_ =	sdelay $0x1  }
0x8a: {  	s1 =	srdreg.scid  }
0x8b: {  	s0 =	sand.u32 $0x1, s1  }
0x8c: {  	s17 =	sshll.u32 s0, $0xA;
	s2 =	sadd.s32 s3, s2  }
0x8d: {  	s2 =	sadd.s32 s2, s17  }
0x8e: {  	[smem:$0x3FC2] =	sst s2  }
0x8f: {  	_ = 	snop  }
0x90: {  	s2 =	sld [smem:$0x3FD0];
	(tm) =	ssettm $0x1  }
0x91: {  	s18 =	sld [smem:$0x3FFB];
	_ =	sdelay $0x3  }
0x92: {  	_ =	strace s18  }
0x93: {  	s3 =	sld [smem:$0x3FFC];
	_ =	sdelay $0x3  }
0x94: {  	_ =	strace s3  }
0x95: {  	s3 =	sld [smem:$0x3FFD];
	_ =	sdelay $0x3  }
0x96: {  	_ =	strace s3  }
0x97: {  	_ =	strace $0x8FFFFFFF  }
0x98: {  	s19 =	sld [smem:$0x3FDB];
	_ =	sdelay $0x1  }
0x99: {  	s4 =	simm.s32 $_scs_section_size  }
0x9a: {  	s5 =	simm.s32 $_size__tile_overlayer_lowered;
	s6 =	simm.s32 $_tile_overlayer_lowered  }
0x9b: {  	s22 =	simm.s32 $0x1BFF;
	s21 =	sshll.u32 s6, $0x1;
	s3 =	sadd.s32 s4, s19  }
0x9c: {  	s7 =	simm.s32 $0x0;
	s20 =	sshll.u32 s5, $0x1;
	s5 =	sadd.s32 s21, s3  }
0x9d: {  	[timem:s7], [sflag:s22] =	dma.local [hbm:s5], s20  }
0x9e: {  	_ =	swait.ge [sflag:s22], s20  }
0x9f: {  	s4 =	ssub.s32 $0x0, s20;
	[sflag:s22] =	ssyncset.done $0x0  }
0xa0: {  	[sflag:s22] =	ssyncadd.s32 s4;
	_ =	sdelay $0x1  }
0xa1: {  	s23 =	simm.s32 $0x1B8B  }
0xa2: {  	_ =	swait.ge [sflag:s23], $0x1  }
0xa3: {  	[sflag:s23] =	ssyncset.done $0x0  }
0xa4: {  	s25 =	simm.s32 $0x1B8E;
	s24 =	sld [smem:$0x3FFE];
	[sflag:s23] =	ssyncadd.s32 $0xFFFFFFFF  }
0xa5: {  	s26 =	simm.s32 $execute0_lowered;
	[smem:$0x3FD2] =	sst s25  }
0xa6: {  	s5 =	sshll.u32 s26, $0x1;
	_ =	strace $0x80000049;
	[dreg:$0x1] =	wrdreg $0xFFFFFFFF  }
0xa7: {  	s28 =	simm.s32 $_size_execute0_lowered;
	s3 =	sadd.s32 s3, s5;
	[dreg:$0x0] =	wrdreg $0x0  }
0xa8: {  	s5 =	sshll.u32 s28, $0x1;
	[dreg:$0x2] =	wrdreg s3  }
0xa9: {  	[dreg:$0x3] =	wrdreg s5  }
0xaa: {  	[dreg:$0x4] =	wrdreg $0xC0  }
0xab: {  	_ =	task [dreg:s7], $0x5FFFF  }
0xac: {  	[dreg:$0x1] =	wrdreg $0xFFFFFFFF  }
0xad: {  	[dreg:$0x0] =	wrdreg $0x60  }
0xae: {  	[dreg:$0x2] =	wrdreg s2  }
0xaf: {  	[dreg:$0x3] =	wrdreg s24  }
0xb0: {  	[dreg:$0x4] =	wrdreg $0xB8000  }
0xb1: {  	[dreg:$0x5] =	wrdreg $0x9  }
0xb2: {  	_ =	task.clear_ibuf [dreg:s7], $0x6FFFF;
	_ =	strace $0x90000049  }
0xb3: {  	s29 =	simm.s32 $0x9;
	_ =	strace $0x8000004B  }
0xb4: {  	_ =	swait.ge [sflag:s29], $0x1  }
0xb5: {  	[sflag:s29] =	ssyncadd.s32 $0xFFFFFFFF  }
0xb6: {  	_ =	strace $0x9000004B  }
0xb7: {  	_ =	sfence  }
0xb8: {  	s30 =	sld [smem:$0x0];
	_ =	sdelay $0x2  }
0xb9: {  	s31 =	sshll.u32 s1, $0xD;
	s1 =	sshrl.u32 s1, $0x2  }
0xba: {  	s3 =	sand.u32 $0x4000, s31;
	s1 =	sadd.s32 s1, s30  }
0xbb: {  	s0 =	sor.u32 s3, s0;
	s1 =	sshll.u32 s1, $0x11  }
0xbc: {  	s0 =	sor.u32 s1, s0  }
0xbd: {  	s0 =	sadd.s32 $0x8F2B, s0  }
0xbe: {  	[sflag:s0] =	ssyncadd.remote.s32 $0x1  }
0xbf: {  	_ =	sfence.sel $0xFFFF  }
0xc0: {  	[dreg:$0x0] =	wrdreg $0xFFFFFFFF;
	(pc) =	sbr.abs _section_cstart, $3  }
0xc1: {  	[dreg:$0x1] =	wrdreg $0xFFFFFFFF  }
0xc2: {  	_ =	task.clear_ibuf [dreg:s7], $0x2FFFF;
	_ =	strace $0x9FFFFFFF  }
0xc3: {  	(tm) =	ssettm $0x7FFFFFFF  }
tec
execute0_lowered:
.L_overlay_start_1:
0x0: {  	(tag) =	ssettag $0x1  }
0x1: {  	s2 =	rddreg [dreg:$0x0]  }
0x2: {  	s6 =	rddreg [dreg:$0x1]  }
0x3: {  	s0 =	srdreg.scid;
	s3 =	rddreg [dreg:$0x2]  }
0x4: {  	s4 =	simm.s32 $0x0;
	s15 =	simm.s32 $0x5000;
	s16 =	simm.s32 $0x80  }
0x5: {  	s17 =	simm.s32 $0x7800;
	s18 =	simm.s32 $0x1;
	s5 =	sand.u32 $0x1, s0  }
0x6: {  	s19 =	simm.s32 $0x0;
	s0 =	stileid.u32;
	s9 =	smul.u32 $0x140000, s5  }
0x7: {  	[smem:$0x7FF] =	sst s4;
	s1 =	sshll.u32 s5, $0x4;
	s10 =	smul.u32 $0x14000, s0  }
0x8: {  	s25 =	ssub.s32 $0x2, s5;
	s26 =	smul.u32 $0x50000, s0;
	s1 =	sor.u32 s0, s1  }
0x9: {  	s5 =	sadd.s32 $0x20600, s6;
	s31 =	sshll.u32 s0, $0x6;
	s7 =	smul.u32 $0x500, s1  }
0xa: {  	s29 =	sshrl.u32 s25, $0x1;
	s8 =	smul.u32 $0x4F0, s1;
	s1 =	rddreg [dreg:$0x3]  }
0xb: {  	_ =	strace $0x8000004A;
	s24 =	sadd.s32 s10, s9;
	s13 =	ssub.s32 s25, s29  }
0xc: {  	s30 =	sshrl.u32 s26, $0x2;
	s11 =	sadd.s32 s7, s6;
	s7 =	sshrl.u32 s24, $0x3  }
0xd: {  	s14 =	sadd.s32 s30, s3;
	s12 =	sadd.s32 s8, s6;
	s28 =	sadd.s32 s7, s6  }
0xe: {  	s6 =	sor.u32 $0x1C02, s31;
	s7 =	sadd.s32 $0x2800, s11;
	s8 =	sadd.s32 $0xC800, s11  }
0xf: {  	s9 =	sadd.s32 $0x16800, s12;
	s11 =	smax.u32 s13, $0x1;
	s12 =	sshrl.u32 s14, $0x3  }
0x10: {  	s13 =	simm.s32 $0x2;
	s14 =	simm.s32 $0x2800;
	s10 =	sadd.s32 $0x22E00, s28  }
.LBB2_1:
0x11: {  	[spmem:s12], [sflag:s6] =	dma.local [hbm:s5], $0x2800  }
0x12: {  	_ =	swait.ge [sflag:s13], $0x2800  }
0x13: {  	[sflag:s13] =	ssyncset.done $0x0  }
0x14: {  	[sflag:s13] =	ssyncadd.s32 $0xFFFFD800  }
0x15: {  	[tilespmem:s4], [sflag:$0x2] =	stream.linear.gather [hbm4b:s7+s4], $0x2780, $0x38;
	[tilespmem:$0x1F800] =	vst v63  }
0x16: {  	_ =	swait.ge [sflag:s13], $0x2780  }
0x17: {  	[sflag:s13] =	ssyncset.done $0x0  }
0x18: {  	[sflag:s13] =	ssyncadd.s32 $0xFFFFD880  }
0x19: {  	[tilespmem:s14], [sflag:$0x2] =	stream.linear.gather [hbm4b:s8+s4], $0x2780, $0x38;
	[tilespmem:$0x1F800] =	vst v63  }
0x1a: {  	_ =	swait.ge [sflag:s13], $0x2780  }
0x1b: {  	[sflag:s13] =	ssyncset.done $0x0  }
0x1c: {  	[sflag:s13] =	ssyncadd.s32 $0xFFFFD880  }
0x1d: {  	[tilespmem:s15], [sflag:$0x2] =	stream.linear.gather [hbm4b:s9+s4], $0x2780, $0x38;
	[tilespmem:$0x1F800] =	vst v63  }
0x1e: {  	_ =	swait.ge [sflag:s13], $0x2780  }
0x1f: {  	[sflag:s13] =	ssyncset.done $0x0  }
0x20: {  	[sflag:s13] =	ssyncadd.s32 $0xFFFFD880  }
0x21: {  	s20 =	simm.s32 $0x5001;
	s21 =	simm.s32 $0x0;
	[bflag:$0x0] =	sbarrier.arrive $0xFFFF  }
.LBB2_2:
0x22: {  	s22 =	sshll.u32 s21, $0x7  }
0x23: {  	[tilespmem:s17], [sflag:$0x1] =	stream.indirect.gather [hbm4b:s2+s16], $0x80, s22, s16, $0xb8;
	[tilespmem:$0x1F800] =	vst v63  }
0x24: {  	_ =	swait.ge [sflag:s18], $0x4000  }
0x25: {  	[sflag:s18] =	ssyncset.done $0x0  }
0x26: {  	[sflag:s18] =	ssyncadd.s32 $0xFFFFC000  }
0x27: {  	s23 =	simm.s32 $0x7880;
	v4 =	vld.msk [tilespmem:s20+$0xFFFFFFFF ss:$0x0], $0xffff  }
0x28: {  	v1 =	vld [tilespmem:s23+$0xFFFFFFF0]  }
0x29: {  	v5 =	vld [tilespmem:s23+$0xFFFFFF80]  }
0x2a: {  	v6 =	vld [tilespmem:s23+$0xFFFFFFA0]  }
0x2b: {  	v7 =	vld [tilespmem:s23+$0xFFFFFFB0]  }
0x2c: {  	v2 =	vld [tilespmem:s23+$0xFFFFFFD0]  }
0x2d: {  	v9 =	vld [tilespmem:s23+$0xFFFFFF90];
	v10 =	vmul.f32 v1, v4  }
0x2e: {  	v8 =	vld [tilespmem:s23+$0xFFFFFFE0];
	v5 =	vmul.f32 v4, v5  }
0x2f: {  	v3 =	vld [tilespmem:s23+$0xFFFFFFC0];
	v6 =	vmul.f32 v6, v4;
	[tilespmem:s23+$0xFFFFFFF0] =	vst v10  }
0x30: {  	v7 =	vmul.f32 v7, v4;
	[tilespmem:s23+$0xFFFFFF80] =	vst v5  }
0x31: {  	v2 =	vmul.f32 v2, v4;
	[tilespmem:s23+$0xFFFFFFA0] =	vst v6  }
0x32: {  	v5 =	vmul.f32 v9, v4;
	[tilespmem:s23+$0xFFFFFFB0] =	vst v7  }
0x33: {  	v0 =	vld [tilespmem:s23+$0x0];
	v6 =	vmul.f32 v8, v4;
	[tilespmem:s23+$0xFFFFFFD0] =	vst v2  }
0x34: {  	v1 =	vld [tilespmem:s23+$0x10];
	v2 =	vmul.f32 v3, v4;
	[tilespmem:s23+$0xFFFFFF90] =	vst v5  }
0x35: {  	v4 =	vld [tilespmem:s23+$0x50];
	[tilespmem:s23+$0xFFFFFFE0] =	vst v6  }
0x36: {  	v3 =	vld [tilespmem:s23+$0x60];
	[tilespmem:s23+$0xFFFFFFC0] =	vst v2  }
0x37: {  	s24 =	simm.s32 $0x0;
	s25 =	smov.u32 s20;
	s26 =	simm.s32 $0x7880;
	v2 =	vld.msk [tilespmem:s20+$0x0 ss:$0x0], $0xffff  }
.LBB2_3:
0x38: {  	s24 =	sadd.s32 $0x2, s24;
	v5 =	vld [tilespmem:s23+$0x30];
	s25 =	sadd.s32 $0x2, s25;
	s26 =	sadd.s32 $0x100, s26  }
0x39: {  	p0 =	slt.u32 s24, $0x7E;
	v6 =	vld [tilespmem:s23+$0x20]  }
0x3a: {  	v7 =	vld [tilespmem:s23+$0x40]  }
0x3b: {  	v8 =	vld [tilespmem:s23+$0x70];
	_ =	sdelay $0x1  }
0x3c: {  	v0 =	vmul.f32 v2, v0;
	v1 =	vmul.f32 v1, v2  }
0x3d: {  	v5 =	vmul.f32 v5, v2;
	v6 =	vmul.f32 v6, v2  }
0x3e: {  	v4 =	vmul.f32 v4, v2;
	[tilespmem:s23+$0x0] =	vst v0;
	v7 =	vmul.f32 v7, v2  }
0x3f: {  	v3 =	vmul.f32 v3, v2;
	v0 =	vld [tilespmem:s26+$0x0];
	[tilespmem:s23+$0x30] =	vst v5;
	v2 =	vmul.f32 v8, v2  }
0x40: {  	[tilespmem:s23+$0x40] =	vst v7  }
0x41: {  	v5 =	vld [tilespmem:s26+$0xFFFFFFD0];
	[tilespmem:s23+$0x50] =	vst v4  }
0x42: {  	v4 =	vld [tilespmem:s26+$0xFFFFFFC0];
	[tilespmem:s23+$0x20] =	vst v6  }
0x43: {  	v6 =	vld [tilespmem:s26+$0xFFFFFFB0];
	[tilespmem:s23+$0x60] =	vst v3  }
0x44: {  	v3 =	vld [tilespmem:s26+$0xFFFFFFE0];
	[tilespmem:s23+$0x10] =	vst v1  }
0x45: {  	v7 =	vld [tilespmem:s26+$0xFFFFFF80];
	[tilespmem:s23+$0x70] =	vst v2;
	s23 =	smov.u32 s26  }
0x46: {  	v2 =	vld.msk [tilespmem:s25+$0xFFFFFFFF ss:$0x0], $0xffff  }
0x47: {  	v8 =	vld [tilespmem:s26+$0xFFFFFFF0]  }
0x48: {  	v9 =	vld [tilespmem:s26+$0xFFFFFFA0]  }
0x49: {  	v10 =	vld [tilespmem:s26+$0xFFFFFF90]  }
0x4a: {  	v1 =	vld [tilespmem:s26+$0x10];
	_ =	sdelay $0x1  }
0x4b: {  	v7 =	vmul.f32 v2, v7;
	v8 =	vmul.f32 v8, v2  }
0x4c: {  	v3 =	vmul.f32 v3, v2;
	v9 =	vmul.f32 v9, v2  }
0x4d: {  	v6 =	vmul.f32 v6, v2;
	v10 =	vmul.f32 v10, v2;
	[tilespmem:s26+$0xFFFFFFF0] =	vst v8  }
0x4e: {  	[tilespmem:s26+$0xFFFFFF80] =	vst v7;
	v7 =	vmul.f32 v4, v2;
	v2 =	vmul.f32 v5, v2  }
0x4f: {  	[tilespmem:s26+$0xFFFFFFA0] =	vst v9  }
0x50: {  	[tilespmem:s26+$0xFFFFFFB0] =	vst v6  }
.Ltmp0:
0x51: {  	[tilespmem:s26+$0xFFFFFFD0] =	vst v2;
	(pc) =	sbr.rel @p0 .LBB2_3-.Ltmp0, $4  }
0x52: {  	[tilespmem:s26+$0xFFFFFF90] =	vst v10  }
0x53: {  	[tilespmem:s26+$0xFFFFFFE0] =	vst v3;
	v4 =	vld [tilespmem:s26+$0x50]  }
0x54: {  	[tilespmem:s26+$0xFFFFFFC0] =	vst v7;
	v3 =	vld [tilespmem:s26+$0x60]  }
0x55: {  	v2 =	vld.msk [tilespmem:s25+$0x0 ss:$0x0], $0xffff  }
0x56: {  	_ =	sdelay $0x2  }
0x57: {  	v5 =	vld [tilespmem:s23+$0x30]  }
0x58: {  	v6 =	vld [tilespmem:s23+$0x40];
	v0 =	vmul.f32 v2, v0  }
0x59: {  	v7 =	vld [tilespmem:s23+$0x20];
	v4 =	vmul.f32 v4, v2  }
0x5a: {  	v8 =	vld [tilespmem:s23+$0x70];
	v62 =	vmul.f32 v3, v2;
	[tilespmem:s23+$0x0] =	vst v0  }
0x5b: {  	v1 =	vmul.f32 v1, v2;
	[tilespmem:s23+$0x50] =	vst v4  }
0x5c: {  	v5 =	vmul.f32 v5, v2;
	[tilespmem:s23+$0x60] =	vst v62  }
0x5d: {  	v60 =	vmul.f32 v6, v2;
	[tilespmem:s23+$0x10] =	vst v1  }
0x5e: {  	v61 =	vmul.f32 v7, v2;
	[tilespmem:s23+$0x30] =	vst v5  }
0x5f: {  	s21 =	sadd.s32 $0x1, s21;
	v63 =	vmul.f32 v8, v2;
	[tilespmem:s23+$0x40] =	vst v60  }
0x60: {  	p0 =	sne.s32 s21, $0x4F;
	[tilespmem:s23+$0x20] =	vst v61  }
.Ltmp1:
0x61: {  	s22 =	sadd.s32 $0x2800, s22;
	[tilespmem:s23+$0x70] =	vst v63;
	(pc) =	sbr.rel @p0 .LBB2_2-.Ltmp1, $4  }
0x62: {  	[spmem:s3] =	stream.indirect.scatter.add.f32 [tilespmem:s17], [sflag:$0x2], $0x80, s22, s16, $0xb8;
	[tilespmem:$0x1F800] =	vst v63  }
0x63: {  	_ =	swait.ge [sflag:s13], $0x4000  }
0x64: {  	[sflag:s13] =	ssyncset.done $0x0  }
0x65: {  	s20 =	sadd.s32 $0x80, s20;
	[sflag:s13] =	ssyncadd.s32 $0xFFFFC000  }
0x66: {  	s19 =	sadd.s32 $0x1, s19  }
0x67: {  	p0 =	sne.s32 s19, s11  }
.Ltmp2:
0x68: {  	[bflag:$0x0] =	sbarrier.arrive $0xFFFF;
	(pc) =	sbr.rel @p0 .LBB2_1-.Ltmp2, $4  }
0x69: {  	[hbm:s10], [sflag:s6] =	dma.local [spmem:s12], $0x2800  }
0x6a: {  	_ =	swait.ge [sflag:s13], $0x2800  }
0x6b: {  	[sflag:s13] =	ssyncset.done $0x0  }
0x6c: {  	[sflag:s13] =	ssyncadd.s32 $0xFFFFD800  }
0x6d: {  	_ =	sfence.sel $0x180000  }
0x6e: {  	[bflag:$0x0] =	sbarrier.arrive $0xFFFF  }
0x6f: {  	p0 =	sne.s32 s0, $0x0;
	_ =	strace $0x9000004A  }
0x70: {  	s0 =	sadd.s32 @!p0 $0x100000, s1;
	[bflag:$0x2] =	sbarrier.arrive $0xFFFF  }
0x71: {  	[sflag:s0] =	ssyncadd.tile.s32 @!p0 $0x1;
	_ =	shalt  }
.Lfunc_end2:
_tile_overlayer_lowered:
.L_overlay_start_2:
0x72: {  	(tag) =	ssettag $0x2  }
0x73: {  	s0 =	rddreg [dreg:$0x0];
	s2 =	stileid.u32  }
0x74: {  	s1 =	rddreg [dreg:$0x1];
	p0 =	sne.s32 s2, $0x0  }
0x75: {  	s3 =	rddreg [dreg:$0x2];
	[bflag:$0x3] =	sbarrier.arrive $0xFFFF;
	s2 =	simm.s32 @!p0 $0x1C02  }
0x76: {  	[timem:s3], [sflag:s2] =	dma.local @!p0 [hbm:s0], s1  }
0x77: {  	s0 =	simm.s32 @!p0 $0x2  }
0x78: {  	_ =	swait.ge @!p0 [sflag:s0], s1  }
0x79: {  	s1 =	ssub.s32 @!p0 $0x0, s1;
	[sflag:s0] =	ssyncset.done @!p0 $0x0  }
0x7a: {  	[sflag:s0] =	ssyncadd.s32 @!p0 s1  }
0x7b: {  	[bflag:$0x3] =	sbarrier.arrive $0xFFFF  }
0x7c: {  	_ =	shalt  }

</sc_bundles>
